<compile_context>
chip_gen: v7x
topology: tpu7x:2x2x1
jax: 0.10.2.dev20260603
libtpu: 0.0.44.dev20260713+nightly
codegen_flags: <defaults>
</compile_context>

<pallas_src>
import functools

import numpy as np
import jax
import jax.numpy as jnp
from jax import lax
from jax.experimental import pallas as pl
from jax.experimental.pallas import tpu as pltpu
from jax.experimental.pallas import tpu_sc as plsc

_T = 0.1
_Q = 512
_S = 100000
_B = 256
_D = 128
_CHUNK = 4096
_NSTEPS = (_S + _CHUNK - 1) // _CHUNK
_SPAD = _NSTEPS * _CHUNK
_TAIL = _S - (_NSTEPS - 1) * _CHUNK
_THRESH = np.float32(np.sin(25.0 / (2.0 * 6371.0)) ** 2)
_PREC_HI = lax.Precision.HIGHEST
_PREC = lax.Precision.DEFAULT


def _sup_trig(lat2d, lon2d):
    rl2 = jnp.deg2rad(lat2d)
    rlo2 = jnp.deg2rad(lon2d)
    return (jnp.sin(rl2 * 0.5), jnp.cos(rl2 * 0.5),
            jnp.sin(rlo2 * 0.5), jnp.cos(rlo2 * 0.5), jnp.cos(rl2))


def _mask_from_trig(sup, qt):
    sl2, cl2, slo2, clo2, c2 = sup
    sl1, cl1, slo1, clo1, c1 = qt
    sdlat = sl2 * cl1 - cl2 * sl1
    sdlon = slo2 * clo1 - clo2 * slo1
    a = sdlat * sdlat + (c1 * c2) * (sdlon * sdlon)
    return a > _THRESH


def _cumsum1(x):
    m, n = x.shape
    k = 1
    while k < n:
        pad = jnp.zeros((m, k), x.dtype)
        x = x + jnp.concatenate([pad, x[:, :n - k]], axis=1)
        k *= 2
    return x


def _scan_body(gps_ref, V_ref, L_ref, sf_ref, sgT_ref,
               nn_ref, r_ref, cnt_ref,
               joint0_ref, qt_ref, maxv_ref, argi_ref, r_s, cnt_s, done_ref):
    step = pl.program_id(0)

    @pl.when(step == 0)
    def _init():
        x = V_ref[0] * L_ref[...]
        n = jnp.sqrt(jnp.sum(x * x, axis=1, keepdims=True))
        joint0_ref[...] = x / jnp.maximum(n, 1e-12)
        rl1 = jnp.deg2rad(gps_ref[:, 0:1])
        rlo1 = jnp.deg2rad(gps_ref[:, 1:2])
        qt_ref[:, 0:1] = jnp.sin(rl1 * 0.5)
        qt_ref[:, 1:2] = jnp.cos(rl1 * 0.5)
        qt_ref[:, 2:3] = jnp.sin(rlo1 * 0.5)
        qt_ref[:, 3:4] = jnp.cos(rlo1 * 0.5)
        qt_ref[:, 4:5] = jnp.cos(rl1)
        maxv_ref[...] = jnp.full((_B, 1), -jnp.inf, jnp.float32)
        argi_ref[...] = jnp.zeros((_B, 1), jnp.int32)
        r_s[...] = jnp.full((_B, 1), _S - 1, jnp.int32)
        cnt_s[...] = jnp.zeros((_B, 1), jnp.int32)
        done_ref[0] = 0

    giota = lax.broadcasted_iota(jnp.int32, (1, _CHUNK), 1) + step * _CHUNK

    sims = lax.dot_general(joint0_ref[...], sf_ref[...],
                           (((1,), (1,)), ((), ())),
                           precision=_PREC,
                           preferred_element_type=jnp.float32)

    def _merge(s):
        colmax = jnp.max(s, axis=1, keepdims=True)
        lidx = jnp.min(jnp.where(s == colmax, giota, _SPAD),
                       axis=1, keepdims=True)
        better = (colmax > maxv_ref[...]) | (
            (colmax == maxv_ref[...]) & (lidx < argi_ref[...]))
        argi_ref[...] = jnp.where(better, lidx, argi_ref[...])
        maxv_ref[...] = jnp.maximum(maxv_ref[...], colmax)

    @pl.when(step < _NSTEPS - 1)
    def _merge_full():
        _merge(sims)

    @pl.when(step == _NSTEPS - 1)
    def _merge_tail():
        _merge(jnp.where(giota < _S, sims, -jnp.inf))

    @pl.when(done_ref[0] == 0)
    def _gps():
        sup = _sup_trig(sgT_ref[0:1, :], sgT_ref[1:2, :])
        qt = (qt_ref[:, 0:1], qt_ref[:, 1:2], qt_ref[:, 2:3],
              qt_ref[:, 3:4], qt_ref[:, 4:5])
        mask = _mask_from_trig(sup, qt) & (giota < _S)
        mi = mask.astype(jnp.int32)
        incl = _cumsum1(mi)
        cnt_prev = cnt_s[...]
        crossing = mask & ((cnt_prev + incl) == _Q)
        cand = jnp.min(jnp.where(crossing, giota, _S - 1),
                       axis=1, keepdims=True)
        r_s[...] = jnp.minimum(r_s[...], cand)
        cnt_s[...] = cnt_prev + incl[:, _CHUNK - 1:_CHUNK]
        done_ref[0] = jnp.min(cnt_s[...]).astype(jnp.int32) // _Q

    @pl.when(step == _NSTEPS - 1)
    def _out():
        nn_ref[...] = argi_ref[...]
        r_ref[...] = r_s[...]
        cnt_ref[...] = cnt_s[...]


def _scan_call(gps, V, L, support_features, sgT_pad, interpret=False):
    return pl.pallas_call(
        _scan_body,
        grid=(_NSTEPS,),
        in_specs=[
            pl.BlockSpec((_B, 2), lambda i: (0, 0)),
            pl.BlockSpec((2, _B, _D), lambda i: (0, 0, 0)),
            pl.BlockSpec((_B, _D), lambda i: (0, 0)),
            pl.BlockSpec((_CHUNK, _D), lambda i: (i, 0)),
            pl.BlockSpec((2, _CHUNK), lambda i: (0, i)),
        ],
        out_specs=[pl.BlockSpec((_B, 1), lambda i: (0, 0))] * 3,
        out_shape=[jax.ShapeDtypeStruct((_B, 1), jnp.int32)] * 3,
        scratch_shapes=[
            pltpu.VMEM((_B, _D), jnp.float32),
            pltpu.VMEM((_B, 8), jnp.float32),
            pltpu.VMEM((_B, 1), jnp.float32),
            pltpu.VMEM((_B, 1), jnp.int32),
            pltpu.VMEM((_B, 1), jnp.int32),
            pltpu.VMEM((_B, 1), jnp.int32),
            pltpu.SMEM((1,), jnp.int32),
        ],
        interpret=interpret,
    )(gps, V, L, support_features, sgT_pad)


def _make_sc_gather():
    info = plsc.get_sparse_core_info()
    nw = info.num_cores * info.num_subcores
    bpw = _B // nw

    mesh = plsc.VectorSubcoreMesh(core_axis_name="c", subcore_axis_name="s")

    @functools.partial(
        pl.kernel, mesh=mesh,
        out_type=jax.ShapeDtypeStruct((_B, _D), jnp.float32),
        scratch_types=[
            pltpu.VMEM((bpw,), jnp.int32),
            pltpu.VMEM((bpw, _D), jnp.float32),
            pltpu.SemaphoreType.DMA,
        ],
    )
    def sc_gather(table_hbm, idx_hbm, out_hbm, idx_v, rows_v, sem):
        wid = lax.axis_index("s") * info.num_cores + lax.axis_index("c")
        base = wid * bpw
        pltpu.sync_copy(idx_hbm.at[pl.ds(base, bpw)], idx_v)
        pltpu.async_copy(table_hbm.at[idx_v], rows_v, sem).wait()
        pltpu.sync_copy(rows_v, out_hbm.at[pl.ds(base, bpw)])

    return sc_gather


def _gather(table, idx):
    return _make_sc_gather()(table, idx)


def _final_body(gps_ref, V_ref, L_ref, nnrows_ref, r_ref, cnt_ref,
                sf_any, sgT_any, loss_ref,
                buf_f, buf_g, acc_ref, sem_f, sem_g):
    x = nnrows_ref[...]
    n = jnp.sqrt(jnp.sum(x * x, axis=1, keepdims=True))
    nn_joint = x / jnp.maximum(n, 1e-12)
    a1 = V_ref[1] * L_ref[...]
    an = jnp.sqrt(jnp.sum(a1 * a1, axis=1, keepdims=True))
    aug = a1 / jnp.maximum(an, 1e-12)

    M = lax.dot_general(nn_joint, aug, (((1,), (1,)), ((), ())),
                        precision=_PREC_HI,
                        preferred_element_type=jnp.float32)
    bb = lax.broadcasted_iota(jnp.int32, (_B, _B), 0)
    jj = lax.broadcasted_iota(jnp.int32, (_B, _B), 1)
    numerator = jnp.sum(jnp.where(bb == jj, M, 0.0),
                        axis=1, keepdims=True) / _T
    batch_den = jnp.sum(jnp.exp(M / _T), axis=1, keepdims=True)

    rl1 = jnp.deg2rad(gps_ref[:, 0:1])
    rlo1 = jnp.deg2rad(gps_ref[:, 1:2])
    qt = (jnp.sin(rl1 * 0.5), jnp.cos(rl1 * 0.5),
          jnp.sin(rlo1 * 0.5), jnp.cos(rlo1 * 0.5), jnp.cos(rl1))
    rvec = r_ref[...]
    ntrips = (jnp.max(rvec) + _CHUNK) // _CHUNK
    acc_ref[...] = jnp.zeros((_B, 1), jnp.float32)

    def body(c, carry):
        cp_g = pltpu.make_async_copy(
            sgT_any.at[:, pl.ds(c * _CHUNK, _CHUNK)], buf_g, sem_g)
        cp_g.start()

        @pl.when(c < _NSTEPS - 1)
        def _full():
            cp_f = pltpu.make_async_copy(
                sf_any.at[pl.ds(c * _CHUNK, _CHUNK), :], buf_f, sem_f)
            cp_f.start()
            cp_f.wait()

        @pl.when(c == _NSTEPS - 1)
        def _tail():
            cp_f = pltpu.make_async_copy(
                sf_any.at[pl.ds((_NSTEPS - 1) * _CHUNK, _TAIL), :],
                buf_f.at[pl.ds(0, _TAIL), :], sem_f)
            cp_f.start()
            cp_f.wait()

        cp_g.wait()
        s2 = lax.dot_general(nn_joint, buf_f[...], (((1,), (1,)), ((), ())),
                             precision=_PREC_HI,
                             preferred_element_type=jnp.float32)
        giota = lax.broadcasted_iota(jnp.int32, (1, _CHUNK), 1) + c * _CHUNK
        sup = _sup_trig(buf_g[0:1, :], buf_g[1:2, :])
        mask = _mask_from_trig(sup, qt)
        valid = mask & (giota <= rvec)
        acc_ref[...] += jnp.sum(jnp.where(valid, jnp.exp(s2 / _T), 0.0),
                                axis=1, keepdims=True)
        return carry

    lax.fori_loop(0, ntrips, body, 0)

    q_corr = (_Q - jnp.minimum(cnt_ref[...], _Q)).astype(jnp.float32)
    queue_den = acc_ref[...] + q_corr
    total = jnp.sum(numerator - jnp.log(batch_den + queue_den),
                    axis=0, keepdims=True)
    loss_ref[...] = -total / _B


def _final_call(gps, V, L, nn_rows, r, cnt, support_features, sgT_pad,
                interpret=False):
    return pl.pallas_call(
        _final_body,
        in_specs=[
            pl.BlockSpec((_B, 2), lambda: (0, 0)),
            pl.BlockSpec((2, _B, _D), lambda: (0, 0, 0)),
            pl.BlockSpec((_B, _D), lambda: (0, 0)),
            pl.BlockSpec((_B, _D), lambda: (0, 0)),
            pl.BlockSpec((_B, 1), lambda: (0, 0)),
            pl.BlockSpec((_B, 1), lambda: (0, 0)),
            pl.BlockSpec(memory_space=pl.ANY),
            pl.BlockSpec(memory_space=pl.ANY),
        ],
        out_specs=pl.BlockSpec((1, 1), lambda: (0, 0)),
        out_shape=jax.ShapeDtypeStruct((1, 1), jnp.float32),
        scratch_shapes=[
            pltpu.VMEM((_CHUNK, _D), jnp.float32),
            pltpu.VMEM((2, _CHUNK), jnp.float32),
            pltpu.VMEM((_B, 1), jnp.float32),
            pltpu.SemaphoreType.DMA,
            pltpu.SemaphoreType.DMA,
        ],
        interpret=interpret,
    )(gps, V, L, nn_rows, r, cnt, support_features, sgT_pad)


def kernel(V, L, gps, support_features, support_gps):
    sgT_pad = jnp.pad(support_gps.T, ((0, 0), (0, _SPAD - _S)))
    nn_idx, r, cnt = _scan_call(gps, V, L, support_features, sgT_pad)
    nn_rows = _gather(support_features, nn_idx.reshape(_B))
    loss = _final_call(gps, V, L, nn_rows, r, cnt,
                       support_features, sgT_pad)
    return loss[0, 0]

# --- scband reference (transcript-rebuilt; emitter-appended) ---
"""Pipeline reference for scband-snow-cliploss-32916629356881 (READ-ONLY COPY).

The authoritative reference and input builder live on the scoring server;
editing this copy changes nothing except your own understanding.
"""

import jax, jax.numpy as jnp
import numpy as np

TEMPERATURE = 0.1
QUEUE_SIZE = 512


def _normalize(x, axis=-1):
    n = jnp.linalg.norm(x, axis=axis, keepdims=True)
    return x / jnp.maximum(n, 1e-12)


def _haversine_km(q_gps, gps_all):
    lat1 = jnp.deg2rad(q_gps[0])
    lon1 = jnp.deg2rad(q_gps[1])
    lat2 = jnp.deg2rad(gps_all[:, 0])
    lon2 = jnp.deg2rad(gps_all[:, 1])
    dlat = lat2 - lat1
    dlon = lon2 - lon1
    a = jnp.sin(dlat / 2.0) ** 2 + jnp.cos(lat1) * jnp.cos(lat2) * jnp.sin(dlon / 2.0) ** 2
    return 2.0 * 6371.0 * jnp.arcsin(jnp.sqrt(jnp.clip(a, 0.0, 1.0)))


def setup_inputs(seed: int = 0):
    key = jax.random.key(seed)
    k = jax.random.split(key, 5)
    V = jax.random.normal(k[0], (2, 256, 128), dtype=jnp.float32)
    L = jax.random.normal(k[1], (256, 128), dtype=jnp.float32)
    gps = jax.random.normal(k[2], (256, 2), dtype=jnp.float32)
    support_features = jax.random.normal(k[3], (100000, 128), dtype=jnp.float32)
    support_gps = jax.random.normal(k[4], (100000, 2), dtype=jnp.float32)
    return {"V": V, "L": L, "gps": gps, "support_features": support_features, "support_gps": support_gps}


def reference(V, L, gps, support_features, support_gps):
    T = TEMPERATURE
    Q = QUEUE_SIZE
    n_aug, B, d = V.shape
    # org_emb_joint per sample (vectorized over uber_i), normalized along feature dim (dim=0 of the 1D vector)
    joint0 = _normalize(V[0] * L, axis=1)
    # nearest neighbour in support set: argmax over support @ emb
    sims = support_features @ joint0.T  # (S, B)
    nn_idx = jnp.argmax(sims, axis=0)  # (B,)
    nn_joint = _normalize(jnp.take(support_features, nn_idx, axis=0), axis=1)  # (B, d)
    # numerator uses V[1] (hardcoded index 1 in the original, faithfully preserved)
    aug_num = _normalize(V[1] * L, axis=1)
    numerator = jnp.sum(nn_joint * aug_num, axis=1) / T  # (B,)

    def build_queue(q_gps):
        dkm = _haversine_km(q_gps, support_gps)  # (S,)
        mask = dkm > 25.0
        pos = jnp.cumsum(mask.astype(jnp.int32)) - 1
        valid = mask & (pos < Q)
        idx = jnp.where(valid, pos, Q)
        buf = jnp.zeros((Q + 1, d), dtype=support_features.dtype)
        buf = buf.at[idx].set(jnp.where(valid[:, None], support_features, 0.0))
        return buf[:Q]

    queues = jax.vmap(build_queue)(gps)  # (B, Q, d); unfilled rows stay zero (exp(0)=1), as in original
    queue_den = jnp.sum(jnp.exp(jnp.einsum('bd,bqd->bq', nn_joint, queues) / T), axis=1)  # (B,)

    loss = jnp.float32(0.0)
    for j in range(1, n_aug):
        augj = _normalize(V[j] * L, axis=1)  # (B, d)
        batch_den = jnp.sum(jnp.exp((nn_joint @ augj.T) / T), axis=1)  # (B,)
        loss = loss - jnp.sum(numerator - jnp.log(batch_den + queue_den))
    return loss / B

if __name__ == "__main__":
    import jax
    _d = setup_inputs()
    print(jax.jit(kernel)(*tuple(_d.values())))

</pallas_src>

<mosaic_0001>
#map = affine_map<(d0, d1) -> (0, 0)>
#map1 = affine_map<(d0, d1) -> (0)>
module attributes {stable_mosaic.version = 14 : i64} {
  func.func @sc_gather(%arg0: i32, %arg1: i32, %arg2: memref<100000x128xf32, #tpu.memory_space<hbm>>, %arg3: memref<256xi32, #tpu.memory_space<hbm>>, %arg4: memref<256x128xf32, #tpu.memory_space<hbm>>, %arg5: memref<8xi32, #tpu.memory_space<vmem>>, %arg6: memref<8x128xf32, #tpu.memory_space<vmem>>, %arg7: memref<!tpu.dma_semaphore, #tpu.memory_space<semaphore_mem>>) attributes {dimension_semantics = [#tpu.dimension_semantics<core_parallel>, #tpu.dimension_semantics<subcore_parallel>], iteration_bounds = array<i64: 2, 16>, scalar_prefetch = 0 : i64, scratch_operands = 3 : i64, tpu.core_type = #tpu.core_type<sc_vector_subcore>, window_params = [{transform_indices = #map}, {transform_indices = #map1}, {transform_indices = #map}]} {
    %mul3A = arith.constant 2 : i32
    %mul3A_0 = arith.muli %arg1, %mul3A : i32
    %add3A = arith.addi %mul3A_0, %arg0 : i32
    %mul3A_1 = arith.constant 8 : i32
    %mul3A_2 = arith.muli %add3A, %mul3A_1 : i32
    "tpu.region"() ({
      %run_scoped3A = tpu.sem_alloc : memref<!tpu.dma_semaphore, #tpu.memory_space<semaphore_mem>>
      %dma_start3A_7 = tpu.memref_slice %arg3[%mul3A_2] : memref<256xi32, #tpu.memory_space<hbm>> -> memref<8xi32, #tpu.memory_space<hbm>>
      %dma_start3A_8 = tpu.memref_slice %arg3[%mul3A_2] : memref<256xi32, #tpu.memory_space<hbm>> -> memref<8xi32, #tpu.memory_space<hbm>>
      tpu.enqueue_dma source(%dma_start3A_8 : memref<8xi32, #tpu.memory_space<hbm>>) target(%arg5 : memref<8xi32, #tpu.memory_space<vmem>>) target_semaphore(%run_scoped3A : memref<!tpu.dma_semaphore, #tpu.memory_space<semaphore_mem>>)
      %dma_wait3A_9 = tpu.memref_slice %arg3[%mul3A_2] : memref<256xi32, #tpu.memory_space<hbm>> -> memref<8xi32, #tpu.memory_space<hbm>>
      %dma_wait3A_10 = tpu.memref_slice %arg3[%mul3A_2] : memref<256xi32, #tpu.memory_space<hbm>> -> memref<8xi32, #tpu.memory_space<hbm>>
      tpu.wait_dma2 semaphore(%run_scoped3A : memref<!tpu.dma_semaphore, #tpu.memory_space<semaphore_mem>>) src(%dma_wait3A_10 : memref<8xi32, #tpu.memory_space<hbm>>) dst(%arg5 : memref<8xi32, #tpu.memory_space<vmem>>)
      tpu.yield
    }) : () -> ()
    %dma_start3A = arith.constant 0 : i32
    %dma_start3A_3 = arith.constant 0 : i32
    %dma_start3A_4 = tpu.memref_slice %arg2[%dma_start3A, %dma_start3A_3] : memref<100000x128xf32, #tpu.memory_space<hbm>> -> memref<100000x128xf32, #tpu.memory_space<hbm>>
    tpu.enqueue_indirect_dma source(%dma_start3A_4 : memref<100000x128xf32, #tpu.memory_space<hbm>>) target(%arg6 : memref<8x128xf32, #tpu.memory_space<vmem>>) offsets(%arg5 : memref<8xi32, #tpu.memory_space<vmem>>) semaphore(%arg7 : memref<!tpu.dma_semaphore, #tpu.memory_space<semaphore_mem>>)
    %dma_wait3A = arith.constant 0 : i32
    %dma_wait3A_5 = arith.constant 0 : i32
    %dma_wait3A_6 = tpu.memref_slice %arg2[%dma_wait3A, %dma_wait3A_5] : memref<100000x128xf32, #tpu.memory_space<hbm>> -> memref<100000x128xf32, #tpu.memory_space<hbm>>
    tpu.wait_indirect_dma semaphore(%arg7 : memref<!tpu.dma_semaphore, #tpu.memory_space<semaphore_mem>>) src(%dma_wait3A_6 : memref<100000x128xf32, #tpu.memory_space<hbm>>) dst(%arg6 : memref<8x128xf32, #tpu.memory_space<vmem>>)
    "tpu.region"() ({
      %run_scoped3A = tpu.sem_alloc : memref<!tpu.dma_semaphore, #tpu.memory_space<semaphore_mem>>
      %dma_start3A_7 = arith.constant 0 : i32
      %dma_start3A_8 = tpu.memref_slice %arg4[%mul3A_2, %dma_start3A_7] : memref<256x128xf32, #tpu.memory_space<hbm>> -> memref<8x128xf32, #tpu.memory_space<hbm>>
      %dma_start3A_9 = arith.constant 0 : i32
      %dma_start3A_10 = tpu.memref_slice %arg4[%mul3A_2, %dma_start3A_9] : memref<256x128xf32, #tpu.memory_space<hbm>> -> memref<8x128xf32, #tpu.memory_space<hbm>>
      tpu.enqueue_dma source(%arg6 : memref<8x128xf32, #tpu.memory_space<vmem>>) target(%dma_start3A_10 : memref<8x128xf32, #tpu.memory_space<hbm>>) target_semaphore(%run_scoped3A : memref<!tpu.dma_semaphore, #tpu.memory_space<semaphore_mem>>)
      %dma_wait3A_11 = arith.constant 0 : i32
      %dma_wait3A_12 = tpu.memref_slice %arg4[%mul3A_2, %dma_wait3A_11] : memref<256x128xf32, #tpu.memory_space<hbm>> -> memref<8x128xf32, #tpu.memory_space<hbm>>
      %dma_wait3A_13 = arith.constant 0 : i32
      %dma_wait3A_14 = tpu.memref_slice %arg4[%mul3A_2, %dma_wait3A_13] : memref<256x128xf32, #tpu.memory_space<hbm>> -> memref<8x128xf32, #tpu.memory_space<hbm>>
      tpu.wait_dma2 semaphore(%run_scoped3A : memref<!tpu.dma_semaphore, #tpu.memory_space<semaphore_mem>>) src(%arg6 : memref<8x128xf32, #tpu.memory_space<vmem>>) dst(%dma_wait3A_14 : memref<8x128xf32, #tpu.memory_space<hbm>>)
      tpu.yield
    }) : () -> ()
    return
  }
}

module attributes {stable_mosaic.version = 14 : i64} {
  func.func @_scan_body(%arg0: i32, %arg1: memref<256x2xf32, #tpu.memory_space<vmem>>, %arg2: memref<2x256x128xf32, #tpu.memory_space<vmem>>, %arg3: memref<256x128xf32, #tpu.memory_space<vmem>>, %arg4: memref<4096x128xf32, #tpu.memory_space<vmem>>, %arg5: memref<2x4096xf32, #tpu.memory_space<vmem>>, %arg6: memref<256x1xi32, #tpu.memory_space<vmem>>, %arg7: memref<256x1xi32, #tpu.memory_space<vmem>>, %arg8: memref<256x1xi32, #tpu.memory_space<vmem>>, %arg9: memref<256x128xf32, #tpu.memory_space<vmem>>, %arg10: memref<256x8xf32, #tpu.memory_space<vmem>>, %arg11: memref<256x1xf32, #tpu.memory_space<vmem>>, %arg12: memref<256x1xi32, #tpu.memory_space<vmem>>, %arg13: memref<256x1xi32, #tpu.memory_space<vmem>>, %arg14: memref<256x1xi32, #tpu.memory_space<vmem>>, %arg15: memref<1xi32, #tpu.memory_space<smem>>) attributes {dimension_semantics = [#tpu.dimension_semantics<arbitrary>], iteration_bounds = array<i64: 25>, scalar_prefetch = 0 : i64, scratch_operands = 7 : i64, tpu.core_type = #tpu.core_type<tc>, window_params = [{pipeline_mode = #tpu.pipeline_mode<synchronous>, transform_indices = @transform_0, window_bounds = array<i64: 256, 2>}, {pipeline_mode = #tpu.pipeline_mode<synchronous>, transform_indices = @transform_1, window_bounds = array<i64: 2, 256, 128>}, {pipeline_mode = #tpu.pipeline_mode<synchronous>, transform_indices = @transform_2, window_bounds = array<i64: 256, 128>}, {transform_indices = @transform_3, window_bounds = array<i64: 4096, 128>}, {transform_indices = @transform_4, window_bounds = array<i64: 2, 4096>}, {pipeline_mode = #tpu.pipeline_mode<synchronous>, transform_indices = @transform_5, window_bounds = array<i64: 256, 1>}, {pipeline_mode = #tpu.pipeline_mode<synchronous>, transform_indices = @transform_6, window_bounds = array<i64: 256, 1>}, {pipeline_mode = #tpu.pipeline_mode<synchronous>, transform_indices = @transform_7, window_bounds = array<i64: 256, 1>}]} {
    %eq3A = arith.constant 0 : i32
    %eq3A_0 = arith.cmpi eq, %arg0, %eq3A : i32
    %convert_element_type3A = arith.extui %eq3A_0 : i1 to i32
    %cond3A = arith.constant 0 : i32
    %cond3A_1 = arith.cmpi ne, %convert_element_type3A, %cond3A : i32
    scf.if %cond3A_1 {
      %get3A_31 = arith.constant 0 : index
      %get3A_32 = arith.constant 0 : index
      %get3A_33 = arith.constant 0 : index
      %get3A_34 = vector.load %arg2[%get3A_31, %get3A_32, %get3A_33] : memref<2x256x128xf32, #tpu.memory_space<vmem>>, vector<1x256x128xf32>
      %get3A_35 = vector.shape_cast %get3A_34 : vector<1x256x128xf32> to vector<256x128xf32>
      %get3A_36 = arith.constant 0 : index
      %get3A_37 = arith.constant 0 : index
      %get3A_38 = vector.load %arg3[%get3A_36, %get3A_37] : memref<256x128xf32, #tpu.memory_space<vmem>>, vector<256x128xf32>
      %mul3A_39 = arith.mulf %get3A_35, %get3A_38 : vector<256x128xf32>
      %mul3A_40 = arith.mulf %mul3A_39, %mul3A_39 : vector<256x128xf32>
      %reduce_sum3A = arith.constant dense<0.000000e+00> : vector<256xf32>
      %reduce_sum3A_41 = vector.multi_reduction <add>, %mul3A_40, %reduce_sum3A [1] : vector<256x128xf32> to vector<256xf32>
      %broadcast_in_dim3A = vector.shape_cast %reduce_sum3A_41 : vector<256xf32> to vector<256x1xf32>
      %sqrt3A = math.sqrt %broadcast_in_dim3A : vector<256x1xf32>
      %max3A = arith.constant 9.99999996E-13 : f32
      %max3A_42 = vector.broadcast %max3A : f32 to vector<256x1xf32>
      %max3A_43 = arith.maximumf %sqrt3A, %max3A_42 : vector<256x1xf32>
      %div3A = vector.broadcast %max3A_43 : vector<256x1xf32> to vector<256x128xf32>
      %div3A_44 = arith.divf %mul3A_39, %div3A : vector<256x128xf32>
      %swap3A = arith.constant 0 : index
      %swap3A_45 = arith.constant 0 : index
      %swap3A_46 = vector.load %arg9[%swap3A, %swap3A_45] : memref<256x128xf32, #tpu.memory_space<vmem>>, vector<256x128xf32>
      tpu.vector_store %arg9[%swap3A, %swap3A_45], %div3A_44 {strides = array<i32>} : memref<256x128xf32, #tpu.memory_space<vmem>>, vector<256x128xf32>,
      %get3A_47 = arith.constant 0 : index
      %get3A_48 = arith.constant 0 : index
      %get3A_49 = vector.load %arg1[%get3A_47, %get3A_48] : memref<256x2xf32, #tpu.memory_space<vmem>>, vector<256x1xf32>
      %mul3A_50 = arith.constant 0.0174532924 : f32
      %mul3A_51 = vector.broadcast %mul3A_50 : f32 to vector<256x1xf32>
      %mul3A_52 = arith.mulf %get3A_49, %mul3A_51 : vector<256x1xf32>
      %get3A_53 = arith.constant 0 : index
      %get3A_54 = arith.constant 1 : index
      %get3A_55 = vector.load %arg1[%get3A_53, %get3A_54] : memref<256x2xf32, #tpu.memory_space<vmem>>, vector<256x1xf32>
      %mul3A_56 = arith.constant 0.0174532924 : f32
      %mul3A_57 = vector.broadcast %mul3A_56 : f32 to vector<256x1xf32>
      %mul3A_58 = arith.mulf %get3A_55, %mul3A_57 : vector<256x1xf32>
      %mul3A_59 = arith.constant 5.000000e-01 : f32
      %mul3A_60 = vector.broadcast %mul3A_59 : f32 to vector<256x1xf32>
      %mul3A_61 = arith.mulf %mul3A_52, %mul3A_60 : vector<256x1xf32>
      %sin3A = math.sin %mul3A_61 : vector<256x1xf32>
      %swap3A_62 = arith.constant 0 : index
      %swap3A_63 = arith.constant 0 : index
      %swap3A_64 = vector.load %arg10[%swap3A_62, %swap3A_63] : memref<256x8xf32, #tpu.memory_space<vmem>>, vector<256x1xf32>
      tpu.vector_store %arg10[%swap3A_62, %swap3A_63], %sin3A {strides = array<i32>} : memref<256x8xf32, #tpu.memory_space<vmem>>, vector<256x1xf32>,
      %mul3A_65 = arith.constant 5.000000e-01 : f32
      %mul3A_66 = vector.broadcast %mul3A_65 : f32 to vector<256x1xf32>
      %mul3A_67 = arith.mulf %mul3A_52, %mul3A_66 : vector<256x1xf32>
      %cos3A = math.cos %mul3A_67 : vector<256x1xf32>
      %swap3A_68 = arith.constant 0 : index
      %swap3A_69 = arith.constant 1 : index
      %swap3A_70 = vector.load %arg10[%swap3A_68, %swap3A_69] : memref<256x8xf32, #tpu.memory_space<vmem>>, vector<256x1xf32>
      tpu.vector_store %arg10[%swap3A_68, %swap3A_69], %cos3A {strides = array<i32>} : memref<256x8xf32, #tpu.memory_space<vmem>>, vector<256x1xf32>,
      %mul3A_71 = arith.constant 5.000000e-01 : f32
      %mul3A_72 = vector.broadcast %mul3A_71 : f32 to vector<256x1xf32>
      %mul3A_73 = arith.mulf %mul3A_58, %mul3A_72 : vector<256x1xf32>
      %sin3A_74 = math.sin %mul3A_73 : vector<256x1xf32>
      %swap3A_75 = arith.constant 0 : index
      %swap3A_76 = arith.constant 2 : index
      %swap3A_77 = vector.load %arg10[%swap3A_75, %swap3A_76] : memref<256x8xf32, #tpu.memory_space<vmem>>, vector<256x1xf32>
      tpu.vector_store %arg10[%swap3A_75, %swap3A_76], %sin3A_74 {strides = array<i32>} : memref<256x8xf32, #tpu.memory_space<vmem>>, vector<256x1xf32>,
      %mul3A_78 = arith.constant 5.000000e-01 : f32
      %mul3A_79 = vector.broadcast %mul3A_78 : f32 to vector<256x1xf32>
      %mul3A_80 = arith.mulf %mul3A_58, %mul3A_79 : vector<256x1xf32>
      %cos3A_81 = math.cos %mul3A_80 : vector<256x1xf32>
      %swap3A_82 = arith.constant 0 : index
      %swap3A_83 = arith.constant 3 : index
      %swap3A_84 = vector.load %arg10[%swap3A_82, %swap3A_83] : memref<256x8xf32, #tpu.memory_space<vmem>>, vector<256x1xf32>
      tpu.vector_store %arg10[%swap3A_82, %swap3A_83], %cos3A_81 {strides = array<i32>} : memref<256x8xf32, #tpu.memory_space<vmem>>, vector<256x1xf32>,
      %cos3A_85 = math.cos %mul3A_52 : vector<256x1xf32>
      %swap3A_86 = arith.constant 0 : index
      %swap3A_87 = arith.constant 4 : index
      %swap3A_88 = vector.load %arg10[%swap3A_86, %swap3A_87] : memref<256x8xf32, #tpu.memory_space<vmem>>, vector<256x1xf32>
      tpu.vector_store %arg10[%swap3A_86, %swap3A_87], %cos3A_85 {strides = array<i32>} : memref<256x8xf32, #tpu.memory_space<vmem>>, vector<256x1xf32>,
      %broadcast_in_dim3A_89 = arith.constant 0xFF800000 : f32
      %broadcast_in_dim3A_90 = vector.broadcast %broadcast_in_dim3A_89 : f32 to vector<256x1xf32>
      %swap3A_91 = arith.constant 0 : index
      %swap3A_92 = arith.constant 0 : index
      %swap3A_93 = vector.load %arg11[%swap3A_91, %swap3A_92] : memref<256x1xf32, #tpu.memory_space<vmem>>, vector<256x1xf32>
      tpu.vector_store %arg11[%swap3A_91, %swap3A_92], %broadcast_in_dim3A_90 {strides = array<i32>} : memref<256x1xf32, #tpu.memory_space<vmem>>, vector<256x1xf32>,
      %broadcast_in_dim3A_94 = arith.constant 0 : i32
      %broadcast_in_dim3A_95 = vector.broadcast %broadcast_in_dim3A_94 : i32 to vector<256x1xi32>
      %swap3A_96 = arith.constant 0 : index
      %swap3A_97 = arith.constant 0 : index
      %swap3A_98 = vector.load %arg12[%swap3A_96, %swap3A_97] : memref<256x1xi32, #tpu.memory_space<vmem>>, vector<256x1xi32>
      tpu.vector_store %arg12[%swap3A_96, %swap3A_97], %broadcast_in_dim3A_95 {strides = array<i32>} : memref<256x1xi32, #tpu.memory_space<vmem>>, vector<256x1xi32>,
      %broadcast_in_dim3A_99 = arith.constant 99999 : i32
      %broadcast_in_dim3A_100 = vector.broadcast %broadcast_in_dim3A_99 : i32 to vector<256x1xi32>
      %swap3A_101 = arith.constant 0 : index
      %swap3A_102 = arith.constant 0 : index
      %swap3A_103 = vector.load %arg13[%swap3A_101, %swap3A_102] : memref<256x1xi32, #tpu.memory_space<vmem>>, vector<256x1xi32>
      tpu.vector_store %arg13[%swap3A_101, %swap3A_102], %broadcast_in_dim3A_100 {strides = array<i32>} : memref<256x1xi32, #tpu.memory_space<vmem>>, vector<256x1xi32>,
      %broadcast_in_dim3A_104 = arith.constant 0 : i32
      %broadcast_in_dim3A_105 = vector.broadcast %broadcast_in_dim3A_104 : i32 to vector<256x1xi32>
      %swap3A_106 = arith.constant 0 : index
      %swap3A_107 = arith.constant 0 : index
      %swap3A_108 = vector.load %arg14[%swap3A_106, %swap3A_107] : memref<256x1xi32, #tpu.memory_space<vmem>>, vector<256x1xi32>
      tpu.vector_store %arg14[%swap3A_106, %swap3A_107], %broadcast_in_dim3A_105 {strides = array<i32>} : memref<256x1xi32, #tpu.memory_space<vmem>>, vector<256x1xi32>,
      %swap3A_109 = arith.constant 0 : i32
      %swap3A_110 = arith.constant 0 : index
      %swap3A_111 = memref.load %arg15[%swap3A_110] : memref<1xi32, #tpu.memory_space<smem>>
      memref.store %swap3A_109, %arg15[%swap3A_110] : memref<1xi32, #tpu.memory_space<smem>>
    } else {
    }
    %iota3A = tpu.iota {dimensions = array<i32: 1>} : vector<1x4096xi32>
    %mul3A = arith.constant 4096 : i32
    %mul3A_2 = arith.muli %arg0, %mul3A : i32
    %add3A = vector.broadcast %mul3A_2 : i32 to vector<1x4096xi32>
    %add3A_3 = arith.addi %iota3A, %add3A : vector<1x4096xi32>
    %get3A = arith.constant 0 : index
    %get3A_4 = arith.constant 0 : index
    %get3A_5 = vector.load %arg9[%get3A, %get3A_4] : memref<256x128xf32, #tpu.memory_space<vmem>>, vector<256x128xf32>
    %get3A_6 = arith.constant 0 : index
    %get3A_7 = arith.constant 0 : index
    %get3A_8 = vector.load %arg4[%get3A_6, %get3A_7] : memref<4096x128xf32, #tpu.memory_space<vmem>>, vector<4096x128xf32>
    %dot_general3A = arith.constant dense<0.000000e+00> : vector<256x4096xf32>
    %dot_general3A_9 = tpu.matmul %get3A_5, %get3A_8, %dot_general3A {dimension_numbers = #tpu.dot_dimension_numbers<[1], [1], [0], [0], [0, 0, 1, 0], [], []>, transpose_lhs_hint = false} : vector<256x128xf32>, vector<4096x128xf32>, vector<256x4096xf32> -> vector<256x4096xf32>
    %lt3A = arith.constant 24 : i32
    %lt3A_10 = arith.cmpi slt, %arg0, %lt3A : i32
    %convert_element_type3A_11 = arith.extui %lt3A_10 : i1 to i32
    %cond3A_12 = arith.constant 0 : i32
    %cond3A_13 = arith.cmpi ne, %convert_element_type3A_11, %cond3A_12 : i32
    scf.if %cond3A_13 {
      %reduce_max3A = arith.constant dense<0xFF800000> : vector<256xf32>
      %reduce_max3A_31 = vector.multi_reduction <maximumf>, %dot_general3A_9, %reduce_max3A [1] : vector<256x4096xf32> to vector<256xf32>
      %broadcast_in_dim3A = vector.shape_cast %reduce_max3A_31 : vector<256xf32> to vector<256x1xf32>
      %eq3A_32 = vector.broadcast %broadcast_in_dim3A : vector<256x1xf32> to vector<256x4096xf32>
      %eq3A_33 = arith.cmpf oeq, %dot_general3A_9, %eq3A_32 : vector<256x4096xf32>
      %jit3A = arith.constant 102400 : i32
      %broadcast_in_dim3A_34 = vector.shape_cast %add3A_3 : vector<1x4096xi32> to vector<1x4096xi32>
      %broadcast_in_dim3A_35 = vector.broadcast %broadcast_in_dim3A_34 : vector<1x4096xi32> to vector<256x4096xi32>
      %broadcast_in_dim3A_36 = vector.broadcast %jit3A : i32 to vector<256x4096xi32>
      %select_n3A = arith.select %eq3A_33, %broadcast_in_dim3A_35, %broadcast_in_dim3A_36 : vector<256x4096xi1>, vector<256x4096xi32>
      %reduce_min3A = arith.constant dense<2147483647> : vector<256xi32>
      %reduce_min3A_37 = vector.multi_reduction <minsi>, %select_n3A, %reduce_min3A [1] : vector<256x4096xi32> to vector<256xi32>
      %broadcast_in_dim3A_38 = vector.shape_cast %reduce_min3A_37 : vector<256xi32> to vector<256x1xi32>
      %get3A_39 = arith.constant 0 : index
      %get3A_40 = arith.constant 0 : index
      %get3A_41 = vector.load %arg11[%get3A_39, %get3A_40] : memref<256x1xf32, #tpu.memory_space<vmem>>, vector<256x1xf32>
      %gt3A = arith.cmpf ogt, %broadcast_in_dim3A, %get3A_41 : vector<256x1xf32>
      %get3A_42 = arith.constant 0 : index
      %get3A_43 = arith.constant 0 : index
      %get3A_44 = vector.load %arg11[%get3A_42, %get3A_43] : memref<256x1xf32, #tpu.memory_space<vmem>>, vector<256x1xf32>
      %eq3A_45 = arith.cmpf oeq, %broadcast_in_dim3A, %get3A_44 : vector<256x1xf32>
      %get3A_46 = arith.constant 0 : index
      %get3A_47 = arith.constant 0 : index
      %get3A_48 = vector.load %arg12[%get3A_46, %get3A_47] : memref<256x1xi32, #tpu.memory_space<vmem>>, vector<256x1xi32>
      %lt3A_49 = arith.cmpi slt, %broadcast_in_dim3A_38, %get3A_48 : vector<256x1xi32>
      %and3A = arith.andi %eq3A_45, %lt3A_49 : vector<256x1xi1>
      %or3A = arith.ori %gt3A, %and3A : vector<256x1xi1>
      %get3A_50 = arith.constant 0 : index
      %get3A_51 = arith.constant 0 : index
      %get3A_52 = vector.load %arg12[%get3A_50, %get3A_51] : memref<256x1xi32, #tpu.memory_space<vmem>>, vector<256x1xi32>
      %select_n3A_53 = arith.select %or3A, %broadcast_in_dim3A_38, %get3A_52 : vector<256x1xi1>, vector<256x1xi32>
      %swap3A = arith.constant 0 : index
      %swap3A_54 = arith.constant 0 : index
      %swap3A_55 = vector.load %arg12[%swap3A, %swap3A_54] : memref<256x1xi32, #tpu.memory_space<vmem>>, vector<256x1xi32>
      tpu.vector_store %arg12[%swap3A, %swap3A_54], %select_n3A_53 {strides = array<i32>} : memref<256x1xi32, #tpu.memory_space<vmem>>, vector<256x1xi32>,
      %get3A_56 = arith.constant 0 : index
      %get3A_57 = arith.constant 0 : index
      %get3A_58 = vector.load %arg11[%get3A_56, %get3A_57] : memref<256x1xf32, #tpu.memory_space<vmem>>, vector<256x1xf32>
      %max3A = arith.maximumf %get3A_58, %broadcast_in_dim3A : vector<256x1xf32>
      %swap3A_59 = arith.constant 0 : index
      %swap3A_60 = arith.constant 0 : index
      %swap3A_61 = vector.load %arg11[%swap3A_59, %swap3A_60] : memref<256x1xf32, #tpu.memory_space<vmem>>, vector<256x1xf32>
      tpu.vector_store %arg11[%swap3A_59, %swap3A_60], %max3A {strides = array<i32>} : memref<256x1xf32, #tpu.memory_space<vmem>>, vector<256x1xf32>,
    } else {
    }
    %eq3A_14 = arith.constant 24 : i32
    %eq3A_15 = arith.cmpi eq, %arg0, %eq3A_14 : i32
    %convert_element_type3A_16 = arith.extui %eq3A_15 : i1 to i32
    %cond3A_17 = arith.constant 0 : i32
    %cond3A_18 = arith.cmpi ne, %convert_element_type3A_16, %cond3A_17 : i32
    scf.if %cond3A_18 {
      %lt3A_31 = arith.constant 100000 : i32
      %lt3A_32 = vector.broadcast %lt3A_31 : i32 to vector<1x4096xi32>
      %lt3A_33 = arith.cmpi slt, %add3A_3, %lt3A_32 : vector<1x4096xi32>
      %jit3A = arith.constant 0xFF800000 : f32
      %broadcast_in_dim3A = vector.shape_cast %lt3A_33 : vector<1x4096xi1> to vector<1x4096xi1>
      %broadcast_in_dim3A_34 = vector.broadcast %broadcast_in_dim3A : vector<1x4096xi1> to vector<256x4096xi1>
      %broadcast_in_dim3A_35 = vector.broadcast %jit3A : f32 to vector<256x4096xf32>
      %select_n3A = arith.select %broadcast_in_dim3A_34, %dot_general3A_9, %broadcast_in_dim3A_35 : vector<256x4096xi1>, vector<256x4096xf32>
      %reduce_max3A = arith.constant dense<0xFF800000> : vector<256xf32>
      %reduce_max3A_36 = vector.multi_reduction <maximumf>, %select_n3A, %reduce_max3A [1] : vector<256x4096xf32> to vector<256xf32>
      %broadcast_in_dim3A_37 = vector.shape_cast %reduce_max3A_36 : vector<256xf32> to vector<256x1xf32>
      %eq3A_38 = vector.broadcast %broadcast_in_dim3A_37 : vector<256x1xf32> to vector<256x4096xf32>
      %eq3A_39 = arith.cmpf oeq, %select_n3A, %eq3A_38 : vector<256x4096xf32>
      %jit3A_40 = arith.constant 102400 : i32
      %broadcast_in_dim3A_41 = vector.shape_cast %add3A_3 : vector<1x4096xi32> to vector<1x4096xi32>
      %broadcast_in_dim3A_42 = vector.broadcast %broadcast_in_dim3A_41 : vector<1x4096xi32> to vector<256x4096xi32>
      %broadcast_in_dim3A_43 = vector.broadcast %jit3A_40 : i32 to vector<256x4096xi32>
      %select_n3A_44 = arith.select %eq3A_39, %broadcast_in_dim3A_42, %broadcast_in_dim3A_43 : vector<256x4096xi1>, vector<256x4096xi32>
      %reduce_min3A = arith.constant dense<2147483647> : vector<256xi32>
      %reduce_min3A_45 = vector.multi_reduction <minsi>, %select_n3A_44, %reduce_min3A [1] : vector<256x4096xi32> to vector<256xi32>
      %broadcast_in_dim3A_46 = vector.shape_cast %reduce_min3A_45 : vector<256xi32> to vector<256x1xi32>
      %get3A_47 = arith.constant 0 : index
      %get3A_48 = arith.constant 0 : index
      %get3A_49 = vector.load %arg11[%get3A_47, %get3A_48] : memref<256x1xf32, #tpu.memory_space<vmem>>, vector<256x1xf32>
      %gt3A = arith.cmpf ogt, %broadcast_in_dim3A_37, %get3A_49 : vector<256x1xf32>
      %get3A_50 = arith.constant 0 : index
      %get3A_51 = arith.constant 0 : index
      %get3A_52 = vector.load %arg11[%get3A_50, %get3A_51] : memref<256x1xf32, #tpu.memory_space<vmem>>, vector<256x1xf32>
      %eq3A_53 = arith.cmpf oeq, %broadcast_in_dim3A_37, %get3A_52 : vector<256x1xf32>
      %get3A_54 = arith.constant 0 : index
      %get3A_55 = arith.constant 0 : index
      %get3A_56 = vector.load %arg12[%get3A_54, %get3A_55] : memref<256x1xi32, #tpu.memory_space<vmem>>, vector<256x1xi32>
      %lt3A_57 = arith.cmpi slt, %broadcast_in_dim3A_46, %get3A_56 : vector<256x1xi32>
      %and3A = arith.andi %eq3A_53, %lt3A_57 : vector<256x1xi1>
      %or3A = arith.ori %gt3A, %and3A : vector<256x1xi1>
      %get3A_58 = arith.constant 0 : index
      %get3A_59 = arith.constant 0 : index
      %get3A_60 = vector.load %arg12[%get3A_58, %get3A_59] : memref<256x1xi32, #tpu.memory_space<vmem>>, vector<256x1xi32>
      %select_n3A_61 = arith.select %or3A, %broadcast_in_dim3A_46, %get3A_60 : vector<256x1xi1>, vector<256x1xi32>
      %swap3A = arith.constant 0 : index
      %swap3A_62 = arith.constant 0 : index
      %swap3A_63 = vector.load %arg12[%swap3A, %swap3A_62] : memref<256x1xi32, #tpu.memory_space<vmem>>, vector<256x1xi32>
      tpu.vector_store %arg12[%swap3A, %swap3A_62], %select_n3A_61 {strides = array<i32>} : memref<256x1xi32, #tpu.memory_space<vmem>>, vector<256x1xi32>,
      %get3A_64 = arith.constant 0 : index
      %get3A_65 = arith.constant 0 : index
      %get3A_66 = vector.load %arg11[%get3A_64, %get3A_65] : memref<256x1xf32, #tpu.memory_space<vmem>>, vector<256x1xf32>
      %max3A = arith.maximumf %get3A_66, %broadcast_in_dim3A_37 : vector<256x1xf32>
      %swap3A_67 = arith.constant 0 : index
      %swap3A_68 = arith.constant 0 : index
      %swap3A_69 = vector.load %arg11[%swap3A_67, %swap3A_68] : memref<256x1xf32, #tpu.memory_space<vmem>>, vector<256x1xf32>
      tpu.vector_store %arg11[%swap3A_67, %swap3A_68], %max3A {strides = array<i32>} : memref<256x1xf32, #tpu.memory_space<vmem>>, vector<256x1xf32>,
    } else {
    }
    %get3A_19 = arith.constant 0 : index
    %get3A_20 = memref.load %arg15[%get3A_19] : memref<1xi32, #tpu.memory_space<smem>>
    %eq3A_21 = arith.constant 0 : i32
    %eq3A_22 = arith.cmpi eq, %get3A_20, %eq3A_21 : i32
    %convert_element_type3A_23 = arith.extui %eq3A_22 : i1 to i32
    %cond3A_24 = arith.constant 0 : i32
    %cond3A_25 = arith.cmpi ne, %convert_element_type3A_23, %cond3A_24 : i32
    scf.if %cond3A_25 {
      %get3A_31 = arith.constant 0 : index
      %get3A_32 = arith.constant 0 : index
      %get3A_33 = vector.load %arg5[%get3A_31, %get3A_32] : memref<2x4096xf32, #tpu.memory_space<vmem>>, vector<1x4096xf32>
      %get3A_34 = arith.constant 1 : index
      %get3A_35 = arith.constant 0 : index
      %get3A_36 = vector.load %arg5[%get3A_34, %get3A_35] : memref<2x4096xf32, #tpu.memory_space<vmem>>, vector<1x4096xf32>
      %mul3A_37 = arith.constant 0.0174532924 : f32
      %mul3A_38 = vector.broadcast %mul3A_37 : f32 to vector<1x4096xf32>
      %mul3A_39 = arith.mulf %get3A_33, %mul3A_38 : vector<1x4096xf32>
      %mul3A_40 = arith.constant 0.0174532924 : f32
      %mul3A_41 = vector.broadcast %mul3A_40 : f32 to vector<1x4096xf32>
      %mul3A_42 = arith.mulf %get3A_36, %mul3A_41 : vector<1x4096xf32>
      %mul3A_43 = arith.constant 5.000000e-01 : f32
      %mul3A_44 = vector.broadcast %mul3A_43 : f32 to vector<1x4096xf32>
      %mul3A_45 = arith.mulf %mul3A_39, %mul3A_44 : vector<1x4096xf32>
      %sin3A = math.sin %mul3A_45 : vector<1x4096xf32>
      %mul3A_46 = arith.constant 5.000000e-01 : f32
      %mul3A_47 = vector.broadcast %mul3A_46 : f32 to vector<1x4096xf32>
      %mul3A_48 = arith.mulf %mul3A_39, %mul3A_47 : vector<1x4096xf32>
      %cos3A = math.cos %mul3A_48 : vector<1x4096xf32>
      %mul3A_49 = arith.constant 5.000000e-01 : f32
      %mul3A_50 = vector.broadcast %mul3A_49 : f32 to vector<1x4096xf32>
      %mul3A_51 = arith.mulf %mul3A_42, %mul3A_50 : vector<1x4096xf32>
      %sin3A_52 = math.sin %mul3A_51 : vector<1x4096xf32>
      %mul3A_53 = arith.constant 5.000000e-01 : f32
      %mul3A_54 = vector.broadcast %mul3A_53 : f32 to vector<1x4096xf32>
      %mul3A_55 = arith.mulf %mul3A_42, %mul3A_54 : vector<1x4096xf32>
      %cos3A_56 = math.cos %mul3A_55 : vector<1x4096xf32>
      %cos3A_57 = math.cos %mul3A_39 : vector<1x4096xf32>
      %get3A_58 = arith.constant 0 : index
      %get3A_59 = arith.constant 0 : index
      %get3A_60 = vector.load %arg10[%get3A_58, %get3A_59] : memref<256x8xf32, #tpu.memory_space<vmem>>, vector<256x1xf32>
      %get3A_61 = arith.constant 0 : index
      %get3A_62 = arith.constant 1 : index
      %get3A_63 = vector.load %arg10[%get3A_61, %get3A_62] : memref<256x8xf32, #tpu.memory_space<vmem>>, vector<256x1xf32>
      %get3A_64 = arith.constant 0 : index
      %get3A_65 = arith.constant 2 : index
      %get3A_66 = vector.load %arg10[%get3A_64, %get3A_65] : memref<256x8xf32, #tpu.memory_space<vmem>>, vector<256x1xf32>
      %get3A_67 = arith.constant 0 : index
      %get3A_68 = arith.constant 3 : index
      %get3A_69 = vector.load %arg10[%get3A_67, %get3A_68] : memref<256x8xf32, #tpu.memory_space<vmem>>, vector<256x1xf32>
      %get3A_70 = arith.constant 0 : index
      %get3A_71 = arith.constant 4 : index
      %get3A_72 = vector.load %arg10[%get3A_70, %get3A_71] : memref<256x8xf32, #tpu.memory_space<vmem>>, vector<256x1xf32>
      %mul3A_73 = vector.broadcast %sin3A : vector<1x4096xf32> to vector<256x4096xf32>
      %mul3A_74 = vector.broadcast %get3A_63 : vector<256x1xf32> to vector<256x4096xf32>
      %mul3A_75 = arith.mulf %mul3A_73, %mul3A_74 : vector<256x4096xf32>
      %mul3A_76 = vector.broadcast %cos3A : vector<1x4096xf32> to vector<256x4096xf32>
      %mul3A_77 = vector.broadcast %get3A_60 : vector<256x1xf32> to vector<256x4096xf32>
      %mul3A_78 = arith.mulf %mul3A_76, %mul3A_77 : vector<256x4096xf32>
      %sub3A = arith.subf %mul3A_75, %mul3A_78 : vector<256x4096xf32>
      %mul3A_79 = vector.broadcast %sin3A_52 : vector<1x4096xf32> to vector<256x4096xf32>
      %mul3A_80 = vector.broadcast %get3A_69 : vector<256x1xf32> to vector<256x4096xf32>
      %mul3A_81 = arith.mulf %mul3A_79, %mul3A_80 : vector<256x4096xf32>
      %mul3A_82 = vector.broadcast %cos3A_56 : vector<1x4096xf32> to vector<256x4096xf32>
      %mul3A_83 = vector.broadcast %get3A_66 : vector<256x1xf32> to vector<256x4096xf32>
      %mul3A_84 = arith.mulf %mul3A_82, %mul3A_83 : vector<256x4096xf32>
      %sub3A_85 = arith.subf %mul3A_81, %mul3A_84 : vector<256x4096xf32>
      %mul3A_86 = arith.mulf %sub3A, %sub3A : vector<256x4096xf32>
      %mul3A_87 = vector.broadcast %get3A_72 : vector<256x1xf32> to vector<256x4096xf32>
      %mul3A_88 = vector.broadcast %cos3A_57 : vector<1x4096xf32> to vector<256x4096xf32>
      %mul3A_89 = arith.mulf %mul3A_87, %mul3A_88 : vector<256x4096xf32>
      %mul3A_90 = arith.mulf %sub3A_85, %sub3A_85 : vector<256x4096xf32>
      %mul3A_91 = arith.mulf %mul3A_89, %mul3A_90 : vector<256x4096xf32>
      %add3A_92 = arith.addf %mul3A_86, %mul3A_91 : vector<256x4096xf32>
      %gt3A = arith.constant 3.84949954E-6 : f32
      %gt3A_93 = vector.broadcast %gt3A : f32 to vector<256x4096xf32>
      %gt3A_94 = arith.cmpf ogt, %add3A_92, %gt3A_93 : vector<256x4096xf32>
      %lt3A_95 = arith.constant 100000 : i32
      %lt3A_96 = vector.broadcast %lt3A_95 : i32 to vector<1x4096xi32>
      %lt3A_97 = arith.cmpi slt, %add3A_3, %lt3A_96 : vector<1x4096xi32>
      %and3A = vector.broadcast %lt3A_97 : vector<1x4096xi1> to vector<256x4096xi1>
      %and3A_98 = arith.andi %gt3A_94, %and3A : vector<256x4096xi1>
      %convert_element_type3A_99 = arith.extui %and3A_98 : vector<256x4096xi1> to vector<256x4096xi32>
      %broadcast_in_dim3A = arith.constant 0 : i32
      %broadcast_in_dim3A_100 = vector.broadcast %broadcast_in_dim3A : i32 to vector<256x1xi32>
      %slice3A = vector.extract_strided_slice %convert_element_type3A_99 {offsets = [0, 0], sizes = [256, 4095], strides = [1, 1]} : vector<256x4096xi32> to vector<256x4095xi32>
      %concatenate3A = tpu.concatenate %broadcast_in_dim3A_100, %slice3A in 1 : vector<256x1xi32>, vector<256x4095xi32> -> vector<256x4096xi32>
      %add3A_101 = arith.addi %convert_element_type3A_99, %concatenate3A : vector<256x4096xi32>
      %broadcast_in_dim3A_102 = arith.constant 0 : i32
      %broadcast_in_dim3A_103 = vector.broadcast %broadcast_in_dim3A_102 : i32 to vector<256x2xi32>
      %slice3A_104 = vector.extract_strided_slice %add3A_101 {offsets = [0, 0], sizes = [256, 4094], strides = [1, 1]} : vector<256x4096xi32> to vector<256x4094xi32>
      %concatenate3A_105 = tpu.concatenate %broadcast_in_dim3A_103, %slice3A_104 in 1 : vector<256x2xi32>, vector<256x4094xi32> -> vector<256x4096xi32>
      %add3A_106 = arith.addi %add3A_101, %concatenate3A_105 : vector<256x4096xi32>
      %broadcast_in_dim3A_107 = arith.constant 0 : i32
      %broadcast_in_dim3A_108 = vector.broadcast %broadcast_in_dim3A_107 : i32 to vector<256x4xi32>
      %slice3A_109 = vector.extract_strided_slice %add3A_106 {offsets = [0, 0], sizes = [256, 4092], strides = [1, 1]} : vector<256x4096xi32> to vector<256x4092xi32>
      %concatenate3A_110 = tpu.concatenate %broadcast_in_dim3A_108, %slice3A_109 in 1 : vector<256x4xi32>, vector<256x4092xi32> -> vector<256x4096xi32>
      %add3A_111 = arith.addi %add3A_106, %concatenate3A_110 : vector<256x4096xi32>
      %broadcast_in_dim3A_112 = arith.constant 0 : i32
      %broadcast_in_dim3A_113 = vector.broadcast %broadcast_in_dim3A_112 : i32 to vector<256x8xi32>
      %slice3A_114 = vector.extract_strided_slice %add3A_111 {offsets = [0, 0], sizes = [256, 4088], strides = [1, 1]} : vector<256x4096xi32> to vector<256x4088xi32>
      %concatenate3A_115 = tpu.concatenate %broadcast_in_dim3A_113, %slice3A_114 in 1 : vector<256x8xi32>, vector<256x4088xi32> -> vector<256x4096xi32>
      %add3A_116 = arith.addi %add3A_111, %concatenate3A_115 : vector<256x4096xi32>
      %broadcast_in_dim3A_117 = arith.constant 0 : i32
      %broadcast_in_dim3A_118 = vector.broadcast %broadcast_in_dim3A_117 : i32 to vector<256x16xi32>
      %slice3A_119 = vector.extract_strided_slice %add3A_116 {offsets = [0, 0], sizes = [256, 4080], strides = [1, 1]} : vector<256x4096xi32> to vector<256x4080xi32>
      %concatenate3A_120 = tpu.concatenate %broadcast_in_dim3A_118, %slice3A_119 in 1 : vector<256x16xi32>, vector<256x4080xi32> -> vector<256x4096xi32>
      %add3A_121 = arith.addi %add3A_116, %concatenate3A_120 : vector<256x4096xi32>
      %broadcast_in_dim3A_122 = arith.constant 0 : i32
      %broadcast_in_dim3A_123 = vector.broadcast %broadcast_in_dim3A_122 : i32 to vector<256x32xi32>
      %slice3A_124 = vector.extract_strided_slice %add3A_121 {offsets = [0, 0], sizes = [256, 4064], strides = [1, 1]} : vector<256x4096xi32> to vector<256x4064xi32>
      %concatenate3A_125 = tpu.concatenate %broadcast_in_dim3A_123, %slice3A_124 in 1 : vector<256x32xi32>, vector<256x4064xi32> -> vector<256x4096xi32>
      %add3A_126 = arith.addi %add3A_121, %concatenate3A_125 : vector<256x4096xi32>
      %broadcast_in_dim3A_127 = arith.constant 0 : i32
      %broadcast_in_dim3A_128 = vector.broadcast %broadcast_in_dim3A_127 : i32 to vector<256x64xi32>
      %slice3A_129 = vector.extract_strided_slice %add3A_126 {offsets = [0, 0], sizes = [256, 4032], strides = [1, 1]} : vector<256x4096xi32> to vector<256x4032xi32>
      %concatenate3A_130 = tpu.concatenate %broadcast_in_dim3A_128, %slice3A_129 in 1 : vector<256x64xi32>, vector<256x4032xi32> -> vector<256x4096xi32>
      %add3A_131 = arith.addi %add3A_126, %concatenate3A_130 : vector<256x4096xi32>
      %broadcast_in_dim3A_132 = arith.constant 0 : i32
      %broadcast_in_dim3A_133 = vector.broadcast %broadcast_in_dim3A_132 : i32 to vector<256x128xi32>
      %slice3A_134 = vector.extract_strided_slice %add3A_131 {offsets = [0, 0], sizes = [256, 3968], strides = [1, 1]} : vector<256x4096xi32> to vector<256x3968xi32>
      %concatenate3A_135 = tpu.concatenate %broadcast_in_dim3A_133, %slice3A_134 in 1 : vector<256x128xi32>, vector<256x3968xi32> -> vector<256x4096xi32>
      %add3A_136 = arith.addi %add3A_131, %concatenate3A_135 : vector<256x4096xi32>
      %broadcast_in_dim3A_137 = arith.constant 0 : i32
      %broadcast_in_dim3A_138 = vector.broadcast %broadcast_in_dim3A_137 : i32 to vector<256x256xi32>
      %slice3A_139 = vector.extract_strided_slice %add3A_136 {offsets = [0, 0], sizes = [256, 3840], strides = [1, 1]} : vector<256x4096xi32> to vector<256x3840xi32>
      %concatenate3A_140 = tpu.concatenate %broadcast_in_dim3A_138, %slice3A_139 in 1 : vector<256x256xi32>, vector<256x3840xi32> -> vector<256x4096xi32>
      %add3A_141 = arith.addi %add3A_136, %concatenate3A_140 : vector<256x4096xi32>
      %broadcast_in_dim3A_142 = arith.constant 0 : i32
      %broadcast_in_dim3A_143 = vector.broadcast %broadcast_in_dim3A_142 : i32 to vector<256x512xi32>
      %slice3A_144 = vector.extract_strided_slice %add3A_141 {offsets = [0, 0], sizes = [256, 3584], strides = [1, 1]} : vector<256x4096xi32> to vector<256x3584xi32>
      %concatenate3A_145 = tpu.concatenate %broadcast_in_dim3A_143, %slice3A_144 in 1 : vector<256x512xi32>, vector<256x3584xi32> -> vector<256x4096xi32>
      %add3A_146 = arith.addi %add3A_141, %concatenate3A_145 : vector<256x4096xi32>
      %broadcast_in_dim3A_147 = arith.constant 0 : i32
      %broadcast_in_dim3A_148 = vector.broadcast %broadcast_in_dim3A_147 : i32 to vector<256x1024xi32>
      %slice3A_149 = vector.extract_strided_slice %add3A_146 {offsets = [0, 0], sizes = [256, 3072], strides = [1, 1]} : vector<256x4096xi32> to vector<256x3072xi32>
      %concatenate3A_150 = tpu.concatenate %broadcast_in_dim3A_148, %slice3A_149 in 1 : vector<256x1024xi32>, vector<256x3072xi32> -> vector<256x4096xi32>
      %add3A_151 = arith.addi %add3A_146, %concatenate3A_150 : vector<256x4096xi32>
      %broadcast_in_dim3A_152 = arith.constant 0 : i32
      %broadcast_in_dim3A_153 = vector.broadcast %broadcast_in_dim3A_152 : i32 to vector<256x2048xi32>
      %slice3A_154 = vector.extract_strided_slice %add3A_151 {offsets = [0, 0], sizes = [256, 2048], strides = [1, 1]} : vector<256x4096xi32> to vector<256x2048xi32>
      %concatenate3A_155 = tpu.concatenate %broadcast_in_dim3A_153, %slice3A_154 in 1 : vector<256x2048xi32>, vector<256x2048xi32> -> vector<256x4096xi32>
      %add3A_156 = arith.addi %add3A_151, %concatenate3A_155 : vector<256x4096xi32>
      %get3A_157 = arith.constant 0 : index
      %get3A_158 = arith.constant 0 : index
      %get3A_159 = vector.load %arg14[%get3A_157, %get3A_158] : memref<256x1xi32, #tpu.memory_space<vmem>>, vector<256x1xi32>
      %add3A_160 = vector.broadcast %get3A_159 : vector<256x1xi32> to vector<256x4096xi32>
      %add3A_161 = arith.addi %add3A_160, %add3A_156 : vector<256x4096xi32>
      %eq3A_162 = arith.constant 512 : i32
      %eq3A_163 = vector.broadcast %eq3A_162 : i32 to vector<256x4096xi32>
      %eq3A_164 = arith.cmpi eq, %add3A_161, %eq3A_163 : vector<256x4096xi32>
      %and3A_165 = arith.andi %and3A_98, %eq3A_164 : vector<256x4096xi1>
      %jit3A = arith.constant 99999 : i32
      %broadcast_in_dim3A_166 = vector.shape_cast %add3A_3 : vector<1x4096xi32> to vector<1x4096xi32>
      %broadcast_in_dim3A_167 = vector.broadcast %broadcast_in_dim3A_166 : vector<1x4096xi32> to vector<256x4096xi32>
      %broadcast_in_dim3A_168 = vector.broadcast %jit3A : i32 to vector<256x4096xi32>
      %select_n3A = arith.select %and3A_165, %broadcast_in_dim3A_167, %broadcast_in_dim3A_168 : vector<256x4096xi1>, vector<256x4096xi32>
      %reduce_min3A = arith.constant dense<2147483647> : vector<256xi32>
      %reduce_min3A_169 = vector.multi_reduction <minsi>, %select_n3A, %reduce_min3A [1] : vector<256x4096xi32> to vector<256xi32>
      %broadcast_in_dim3A_170 = vector.shape_cast %reduce_min3A_169 : vector<256xi32> to vector<256x1xi32>
      %get3A_171 = arith.constant 0 : index
      %get3A_172 = arith.constant 0 : index
      %get3A_173 = vector.load %arg13[%get3A_171, %get3A_172] : memref<256x1xi32, #tpu.memory_space<vmem>>, vector<256x1xi32>
      %min3A = arith.minsi %get3A_173, %broadcast_in_dim3A_170 : vector<256x1xi32>
      %swap3A = arith.constant 0 : index
      %swap3A_174 = arith.constant 0 : index
      %swap3A_175 = vector.load %arg13[%swap3A, %swap3A_174] : memref<256x1xi32, #tpu.memory_space<vmem>>, vector<256x1xi32>
      tpu.vector_store %arg13[%swap3A, %swap3A_174], %min3A {strides = array<i32>} : memref<256x1xi32, #tpu.memory_space<vmem>>, vector<256x1xi32>,
      %slice3A_176 = vector.extract_strided_slice %add3A_156 {offsets = [0, 4095], sizes = [256, 1], strides = [1, 1]} : vector<256x4096xi32> to vector<256x1xi32>
      %add3A_177 = arith.addi %get3A_159, %slice3A_176 : vector<256x1xi32>
      %swap3A_178 = arith.constant 0 : index
      %swap3A_179 = arith.constant 0 : index
      %swap3A_180 = vector.load %arg14[%swap3A_178, %swap3A_179] : memref<256x1xi32, #tpu.memory_space<vmem>>, vector<256x1xi32>
      tpu.vector_store %arg14[%swap3A_178, %swap3A_179], %add3A_177 {strides = array<i32>} : memref<256x1xi32, #tpu.memory_space<vmem>>, vector<256x1xi32>,
      %get3A_181 = arith.constant 0 : index
      %get3A_182 = arith.constant 0 : index
      %get3A_183 = vector.load %arg14[%get3A_181, %get3A_182] : memref<256x1xi32, #tpu.memory_space<vmem>>, vector<256x1xi32>
      %reduce_min3A_184 = vector.shape_cast %get3A_183 : vector<256x1xi32> to vector<1x256x1xi32>
      %reduce_min3A_185 = arith.constant dense<2147483647> : vector<1xi32>
      %reduce_min3A_186 = vector.multi_reduction <minsi>, %reduce_min3A_184, %reduce_min3A_185 [1, 2] : vector<1x256x1xi32> to vector<1xi32>
      %reduce_min3A_187 = vector.shape_cast %reduce_min3A_186 : vector<1xi32> to vector<1x1x1xi32>
      %reduce_min3A_188 = vector.extract %reduce_min3A_187[0, 0, 0] : i32 from vector<1x1x1xi32>
      %jit3A_189 = arith.constant 512 : i32
      %div3A = arith.divsi %reduce_min3A_188, %jit3A_189 : i32
      %sign3A = arith.constant 0 : i32
      %sign3A_190 = arith.cmpi sgt, %reduce_min3A_188, %sign3A : i32
      %sign3A_191 = arith.extui %sign3A_190 : i1 to i32
      %sign3A_192 = arith.constant 0 : i32
      %sign3A_193 = arith.cmpi slt, %reduce_min3A_188, %sign3A_192 : i32
      %sign3A_194 = arith.extui %sign3A_193 : i1 to i32
      %sign3A_195 = arith.subi %sign3A_191, %sign3A_194 : i32
      %sign3A_196 = arith.constant 0 : i32
      %sign3A_197 = arith.cmpi sgt, %jit3A_189, %sign3A_196 : i32
      %sign3A_198 = arith.extui %sign3A_197 : i1 to i32
      %sign3A_199 = arith.constant 0 : i32
      %sign3A_200 = arith.cmpi slt, %jit3A_189, %sign3A_199 : i32
      %sign3A_201 = arith.extui %sign3A_200 : i1 to i32
      %sign3A_202 = arith.subi %sign3A_198, %sign3A_201 : i32
      %ne3A = arith.cmpi ne, %sign3A_195, %sign3A_202 : i32
      %rem3A = arith.remsi %reduce_min3A_188, %jit3A_189 : i32
      %ne3A_203 = arith.constant 0 : i32
      %ne3A_204 = arith.cmpi ne, %rem3A, %ne3A_203 : i32
      %and3A_205 = arith.andi %ne3A, %ne3A_204 : i1
      %sub3A_206 = arith.constant 1 : i32
      %sub3A_207 = arith.subi %div3A, %sub3A_206 : i32
      %select_n3A_208 = arith.select %and3A_205, %sub3A_207, %div3A : i32
      %swap3A_209 = arith.constant 0 : index
      %swap3A_210 = memref.load %arg15[%swap3A_209] : memref<1xi32, #tpu.memory_space<smem>>
      memref.store %select_n3A_208, %arg15[%swap3A_209] : memref<1xi32, #tpu.memory_space<smem>>
    } else {
    }
    %eq3A_26 = arith.constant 24 : i32
    %eq3A_27 = arith.cmpi eq, %arg0, %eq3A_26 : i32
    %convert_element_type3A_28 = arith.extui %eq3A_27 : i1 to i32
    %cond3A_29 = arith.constant 0 : i32
    %cond3A_30 = arith.cmpi ne, %convert_element_type3A_28, %cond3A_29 : i32
    scf.if %cond3A_30 {
      %get3A_31 = arith.constant 0 : index
      %get3A_32 = arith.constant 0 : index
      %get3A_33 = vector.load %arg12[%get3A_31, %get3A_32] : memref<256x1xi32, #tpu.memory_space<vmem>>, vector<256x1xi32>
      %swap3A = arith.constant 0 : index
      %swap3A_34 = arith.constant 0 : index
      %swap3A_35 = vector.load %arg6[%swap3A, %swap3A_34] : memref<256x1xi32, #tpu.memory_space<vmem>>, vector<256x1xi32>
      tpu.vector_store %arg6[%swap3A, %swap3A_34], %get3A_33 {strides = array<i32>} : memref<256x1xi32, #tpu.memory_space<vmem>>, vector<256x1xi32>,
      %get3A_36 = arith.constant 0 : index
      %get3A_37 = arith.constant 0 : index
      %get3A_38 = vector.load %arg13[%get3A_36, %get3A_37] : memref<256x1xi32, #tpu.memory_space<vmem>>, vector<256x1xi32>
      %swap3A_39 = arith.constant 0 : index
      %swap3A_40 = arith.constant 0 : index
      %swap3A_41 = vector.load %arg7[%swap3A_39, %swap3A_40] : memref<256x1xi32, #tpu.memory_space<vmem>>, vector<256x1xi32>
      tpu.vector_store %arg7[%swap3A_39, %swap3A_40], %get3A_38 {strides = array<i32>} : memref<256x1xi32, #tpu.memory_space<vmem>>, vector<256x1xi32>,
      %get3A_42 = arith.constant 0 : index
      %get3A_43 = arith.constant 0 : index
      %get3A_44 = vector.load %arg14[%get3A_42, %get3A_43] : memref<256x1xi32, #tpu.memory_space<vmem>>, vector<256x1xi32>
      %swap3A_45 = arith.constant 0 : index
      %swap3A_46 = arith.constant 0 : index
      %swap3A_47 = vector.load %arg8[%swap3A_45, %swap3A_46] : memref<256x1xi32, #tpu.memory_space<vmem>>, vector<256x1xi32>
      tpu.vector_store %arg8[%swap3A_45, %swap3A_46], %get3A_44 {strides = array<i32>} : memref<256x1xi32, #tpu.memory_space<vmem>>, vector<256x1xi32>,
    } else {
    }
    return
  }
  func.func @transform_0(%arg0: i32) -> (i32, i32) {
    %c0_i32 = arith.constant 0 : i32
    %c0_i32_0 = arith.constant 0 : i32
    %c0_i32_1 = arith.constant 0 : i32
    return %c0_i32, %c0_i32_0 : i32, i32
  }
  func.func @transform_1(%arg0: i32) -> (i32, i32, i32) {
    %c0_i32 = arith.constant 0 : i32
    %c0_i32_0 = arith.constant 0 : i32
    %c0_i32_1 = arith.constant 0 : i32
    %c0_i32_2 = arith.constant 0 : i32
    return %c0_i32, %c0_i32_0, %c0_i32_1 : i32, i32, i32
  }
  func.func @transform_2(%arg0: i32) -> (i32, i32) {
    %c0_i32 = arith.constant 0 : i32
    %c0_i32_0 = arith.constant 0 : i32
    %c0_i32_1 = arith.constant 0 : i32
    return %c0_i32, %c0_i32_0 : i32, i32
  }
  func.func @transform_3(%arg0: i32) -> (i32, i32) {
    %c0_i32 = arith.constant 0 : i32
    %c0_i32_0 = arith.constant 0 : i32
    return %arg0, %c0_i32 : i32, i32
  }
  func.func @transform_4(%arg0: i32) -> (i32, i32) {
    %c0_i32 = arith.constant 0 : i32
    %c0_i32_0 = arith.constant 0 : i32
    return %c0_i32, %arg0 : i32, i32
  }
  func.func @transform_5(%arg0: i32) -> (i32, i32) {
    %c0_i32 = arith.constant 0 : i32
    %c0_i32_0 = arith.constant 0 : i32
    %c0_i32_1 = arith.constant 0 : i32
    return %c0_i32, %c0_i32_0 : i32, i32
  }
  func.func @transform_6(%arg0: i32) -> (i32, i32) {
    %c0_i32 = arith.constant 0 : i32
    %c0_i32_0 = arith.constant 0 : i32
    %c0_i32_1 = arith.constant 0 : i32
    return %c0_i32, %c0_i32_0 : i32, i32
  }
  func.func @transform_7(%arg0: i32) -> (i32, i32) {
    %c0_i32 = arith.constant 0 : i32
    %c0_i32_0 = arith.constant 0 : i32
    %c0_i32_1 = arith.constant 0 : i32
    return %c0_i32, %c0_i32_0 : i32, i32
  }
}

module attributes {stable_mosaic.version = 14 : i64} {
  func.func @_final_body(%arg0: memref<256x2xf32, #tpu.memory_space<vmem>>, %arg1: memref<2x256x128xf32, #tpu.memory_space<vmem>>, %arg2: memref<256x128xf32, #tpu.memory_space<vmem>>, %arg3: memref<256x128xf32, #tpu.memory_space<vmem>>, %arg4: memref<256x1xi32, #tpu.memory_space<vmem>>, %arg5: memref<256x1xi32, #tpu.memory_space<vmem>>, %arg6: memref<100000x128xf32, #tpu.memory_space<any>>, %arg7: memref<2x102400xf32, #tpu.memory_space<any>>, %arg8: memref<1x1xf32, #tpu.memory_space<vmem>>, %arg9: memref<4096x128xf32, #tpu.memory_space<vmem>>, %arg10: memref<2x4096xf32, #tpu.memory_space<vmem>>, %arg11: memref<256x1xf32, #tpu.memory_space<vmem>>, %arg12: memref<!tpu.dma_semaphore, #tpu.memory_space<semaphore_mem>>, %arg13: memref<!tpu.dma_semaphore, #tpu.memory_space<semaphore_mem>>) attributes {dimension_semantics = [], scalar_prefetch = 0 : i64, scratch_operands = 5 : i64, tpu.core_type = #tpu.core_type<tc>} {
    %get3A = arith.constant 0 : index
    %get3A_0 = arith.constant 0 : index
    %get3A_1 = vector.load %arg3[%get3A, %get3A_0] : memref<256x128xf32, #tpu.memory_space<vmem>>, vector<256x128xf32>
    %mul3A = arith.mulf %get3A_1, %get3A_1 : vector<256x128xf32>
    %reduce_sum3A = arith.constant dense<0.000000e+00> : vector<256xf32>
    %reduce_sum3A_2 = vector.multi_reduction <add>, %mul3A, %reduce_sum3A [1] : vector<256x128xf32> to vector<256xf32>
    %broadcast_in_dim3A = vector.shape_cast %reduce_sum3A_2 : vector<256xf32> to vector<256x1xf32>
    %sqrt3A = math.sqrt %broadcast_in_dim3A : vector<256x1xf32>
    %max3A = arith.constant 9.99999996E-13 : f32
    %max3A_3 = vector.broadcast %max3A : f32 to vector<256x1xf32>
    %max3A_4 = arith.maximumf %sqrt3A, %max3A_3 : vector<256x1xf32>
    %div3A = vector.broadcast %max3A_4 : vector<256x1xf32> to vector<256x128xf32>
    %div3A_5 = arith.divf %get3A_1, %div3A : vector<256x128xf32>
    %get3A_6 = arith.constant 1 : index
    %get3A_7 = arith.constant 0 : index
    %get3A_8 = arith.constant 0 : index
    %get3A_9 = vector.load %arg1[%get3A_6, %get3A_7, %get3A_8] : memref<2x256x128xf32, #tpu.memory_space<vmem>>, vector<1x256x128xf32>
    %get3A_10 = vector.shape_cast %get3A_9 : vector<1x256x128xf32> to vector<256x128xf32>
    %get3A_11 = arith.constant 0 : index
    %get3A_12 = arith.constant 0 : index
    %get3A_13 = vector.load %arg2[%get3A_11, %get3A_12] : memref<256x128xf32, #tpu.memory_space<vmem>>, vector<256x128xf32>
    %mul3A_14 = arith.mulf %get3A_10, %get3A_13 : vector<256x128xf32>
    %mul3A_15 = arith.mulf %mul3A_14, %mul3A_14 : vector<256x128xf32>
    %reduce_sum3A_16 = arith.constant dense<0.000000e+00> : vector<256xf32>
    %reduce_sum3A_17 = vector.multi_reduction <add>, %mul3A_15, %reduce_sum3A_16 [1] : vector<256x128xf32> to vector<256xf32>
    %broadcast_in_dim3A_18 = vector.shape_cast %reduce_sum3A_17 : vector<256xf32> to vector<256x1xf32>
    %sqrt3A_19 = math.sqrt %broadcast_in_dim3A_18 : vector<256x1xf32>
    %max3A_20 = arith.constant 9.99999996E-13 : f32
    %max3A_21 = vector.broadcast %max3A_20 : f32 to vector<256x1xf32>
    %max3A_22 = arith.maximumf %sqrt3A_19, %max3A_21 : vector<256x1xf32>
    %div3A_23 = vector.broadcast %max3A_22 : vector<256x1xf32> to vector<256x128xf32>
    %div3A_24 = arith.divf %mul3A_14, %div3A_23 : vector<256x128xf32>
    %dot_general3A = arith.constant dense<0.000000e+00> : vector<256x256xf32>
    %dot_general3A_25 = tpu.matmul %div3A_5, %div3A_24, %dot_general3A {dimension_numbers = #tpu.dot_dimension_numbers<[1], [1], [0], [0], [0, 0, 1, 0], [], []>, precision = #tpu.contract_precision<fp32>, transpose_lhs_hint = false} : vector<256x128xf32>, vector<256x128xf32>, vector<256x256xf32> -> vector<256x256xf32>
    %iota3A = tpu.iota {dimensions = array<i32: 0>} : vector<256x256xi32>
    %iota3A_26 = tpu.iota {dimensions = array<i32: 1>} : vector<256x256xi32>
    %eq3A = arith.cmpi eq, %iota3A, %iota3A_26 : vector<256x256xi32>
    %jit3A = arith.constant 0.000000e+00 : f32
    %broadcast_in_dim3A_27 = vector.broadcast %jit3A : f32 to vector<256x256xf32>
    %select_n3A = arith.select %eq3A, %dot_general3A_25, %broadcast_in_dim3A_27 : vector<256x256xi1>, vector<256x256xf32>
    %reduce_sum3A_28 = arith.constant dense<0.000000e+00> : vector<256xf32>
    %reduce_sum3A_29 = vector.multi_reduction <add>, %select_n3A, %reduce_sum3A_28 [1] : vector<256x256xf32> to vector<256xf32>
    %broadcast_in_dim3A_30 = vector.shape_cast %reduce_sum3A_29 : vector<256xf32> to vector<256x1xf32>
    %div3A_31 = arith.constant 1.000000e-01 : f32
    %div3A_32 = vector.broadcast %div3A_31 : f32 to vector<256x1xf32>
    %div3A_33 = arith.divf %broadcast_in_dim3A_30, %div3A_32 : vector<256x1xf32>
    %div3A_34 = arith.constant 1.000000e-01 : f32
    %div3A_35 = vector.broadcast %div3A_34 : f32 to vector<256x256xf32>
    %div3A_36 = arith.divf %dot_general3A_25, %div3A_35 : vector<256x256xf32>
    %exp3A = math.exp %div3A_36 : vector<256x256xf32>
    %reduce_sum3A_37 = arith.constant dense<0.000000e+00> : vector<256xf32>
    %reduce_sum3A_38 = vector.multi_reduction <add>, %exp3A, %reduce_sum3A_37 [1] : vector<256x256xf32> to vector<256xf32>
    %broadcast_in_dim3A_39 = vector.shape_cast %reduce_sum3A_38 : vector<256xf32> to vector<256x1xf32>
    %get3A_40 = arith.constant 0 : index
    %get3A_41 = arith.constant 0 : index
    %get3A_42 = vector.load %arg0[%get3A_40, %get3A_41] : memref<256x2xf32, #tpu.memory_space<vmem>>, vector<256x1xf32>
    %mul3A_43 = arith.constant 0.0174532924 : f32
    %mul3A_44 = vector.broadcast %mul3A_43 : f32 to vector<256x1xf32>
    %mul3A_45 = arith.mulf %get3A_42, %mul3A_44 : vector<256x1xf32>
    %get3A_46 = arith.constant 0 : index
    %get3A_47 = arith.constant 1 : index
    %get3A_48 = vector.load %arg0[%get3A_46, %get3A_47] : memref<256x2xf32, #tpu.memory_space<vmem>>, vector<256x1xf32>
    %mul3A_49 = arith.constant 0.0174532924 : f32
    %mul3A_50 = vector.broadcast %mul3A_49 : f32 to vector<256x1xf32>
    %mul3A_51 = arith.mulf %get3A_48, %mul3A_50 : vector<256x1xf32>
    %mul3A_52 = arith.constant 5.000000e-01 : f32
    %mul3A_53 = vector.broadcast %mul3A_52 : f32 to vector<256x1xf32>
    %mul3A_54 = arith.mulf %mul3A_45, %mul3A_53 : vector<256x1xf32>
    %sin3A = math.sin %mul3A_54 : vector<256x1xf32>
    %mul3A_55 = arith.constant 5.000000e-01 : f32
    %mul3A_56 = vector.broadcast %mul3A_55 : f32 to vector<256x1xf32>
    %mul3A_57 = arith.mulf %mul3A_45, %mul3A_56 : vector<256x1xf32>
    %cos3A = math.cos %mul3A_57 : vector<256x1xf32>
    %mul3A_58 = arith.constant 5.000000e-01 : f32
    %mul3A_59 = vector.broadcast %mul3A_58 : f32 to vector<256x1xf32>
    %mul3A_60 = arith.mulf %mul3A_51, %mul3A_59 : vector<256x1xf32>
    %sin3A_61 = math.sin %mul3A_60 : vector<256x1xf32>
    %mul3A_62 = arith.constant 5.000000e-01 : f32
    %mul3A_63 = vector.broadcast %mul3A_62 : f32 to vector<256x1xf32>
    %mul3A_64 = arith.mulf %mul3A_51, %mul3A_63 : vector<256x1xf32>
    %cos3A_65 = math.cos %mul3A_64 : vector<256x1xf32>
    %cos3A_66 = math.cos %mul3A_45 : vector<256x1xf32>
    %get3A_67 = arith.constant 0 : index
    %get3A_68 = arith.constant 0 : index
    %get3A_69 = vector.load %arg4[%get3A_67, %get3A_68] : memref<256x1xi32, #tpu.memory_space<vmem>>, vector<256x1xi32>
    %reduce_max3A = vector.shape_cast %get3A_69 : vector<256x1xi32> to vector<1x256x1xi32>
    %reduce_max3A_70 = arith.constant dense<-2147483648> : vector<1xi32>
    %reduce_max3A_71 = vector.multi_reduction <maxsi>, %reduce_max3A, %reduce_max3A_70 [1, 2] : vector<1x256x1xi32> to vector<1xi32>
    %reduce_max3A_72 = vector.shape_cast %reduce_max3A_71 : vector<1xi32> to vector<1x1x1xi32>
    %reduce_max3A_73 = vector.extract %reduce_max3A_72[0, 0, 0] : i32 from vector<1x1x1xi32>
    %add3A = arith.constant 4096 : i32
    %add3A_74 = arith.addi %reduce_max3A_73, %add3A : i32
    %jit3A_75 = arith.constant 4096 : i32
    %div3A_76 = arith.divsi %add3A_74, %jit3A_75 : i32
    %sign3A = arith.constant 0 : i32
    %sign3A_77 = arith.cmpi sgt, %add3A_74, %sign3A : i32
    %sign3A_78 = arith.extui %sign3A_77 : i1 to i32
    %sign3A_79 = arith.constant 0 : i32
    %sign3A_80 = arith.cmpi slt, %add3A_74, %sign3A_79 : i32
    %sign3A_81 = arith.extui %sign3A_80 : i1 to i32
    %sign3A_82 = arith.subi %sign3A_78, %sign3A_81 : i32
    %sign3A_83 = arith.constant 0 : i32
    %sign3A_84 = arith.cmpi sgt, %jit3A_75, %sign3A_83 : i32
    %sign3A_85 = arith.extui %sign3A_84 : i1 to i32
    %sign3A_86 = arith.constant 0 : i32
    %sign3A_87 = arith.cmpi slt, %jit3A_75, %sign3A_86 : i32
    %sign3A_88 = arith.extui %sign3A_87 : i1 to i32
    %sign3A_89 = arith.subi %sign3A_85, %sign3A_88 : i32
    %ne3A = arith.cmpi ne, %sign3A_82, %sign3A_89 : i32
    %rem3A = arith.remsi %add3A_74, %jit3A_75 : i32
    %ne3A_90 = arith.constant 0 : i32
    %ne3A_91 = arith.cmpi ne, %rem3A, %ne3A_90 : i32
    %and3A = arith.andi %ne3A, %ne3A_91 : i1
    %sub3A = arith.constant 1 : i32
    %sub3A_92 = arith.subi %div3A_76, %sub3A : i32
    %select_n3A_93 = arith.select %and3A, %sub3A_92, %div3A_76 : i32
    %broadcast_in_dim3A_94 = arith.constant 0.000000e+00 : f32
    %broadcast_in_dim3A_95 = vector.broadcast %broadcast_in_dim3A_94 : f32 to vector<256x1xf32>
    %swap3A = arith.constant 0 : index
    %swap3A_96 = arith.constant 0 : index
    %swap3A_97 = vector.load %arg11[%swap3A, %swap3A_96] : memref<256x1xf32, #tpu.memory_space<vmem>>, vector<256x1xf32>
    tpu.vector_store %arg11[%swap3A, %swap3A_96], %broadcast_in_dim3A_95 {strides = array<i32>} : memref<256x1xf32, #tpu.memory_space<vmem>>, vector<256x1xf32>,
    %while3A = arith.constant 0 : i32
    %while3A_98 = arith.constant 0 : i32
    %while3A_99 = arith.subi %select_n3A_93, %while3A_98 : i32
    %while3A_100 = arith.addi %while3A_98, %while3A_99 : i32
    %while3A_101 = arith.constant 1 : i32
    %while3A_102 = arith.divsi %while3A_99, %while3A_101 : i32
    %while3A_103 = arith.muli %while3A_102, %while3A_101 : i32
    %while3A_104 = arith.addi %while3A_98, %while3A_103 : i32
    %while3A_105 = arith.constant 1 : i32
    scf.for %while3A_132 = %while3A_98 to %while3A_104 step %while3A_105  : i32 {
      %mul3A_133 = arith.constant 4096 : i32
      %mul3A_134 = arith.muli %while3A_132, %mul3A_133 : i32
      %dma_start3A = arith.constant 0 : i32
      %dma_start3A_135 = tpu.memref_slice %arg7[%dma_start3A, %mul3A_134] : memref<2x102400xf32, #tpu.memory_space<any>> -> memref<2x4096xf32, #tpu.memory_space<any>>
      tpu.enqueue_dma source(%dma_start3A_135 : memref<2x4096xf32, #tpu.memory_space<any>>) target(%arg10 : memref<2x4096xf32, #tpu.memory_space<vmem>>) target_semaphore(%arg13 : memref<!tpu.dma_semaphore, #tpu.memory_space<semaphore_mem>>)
      %lt3A = arith.constant 24 : i32
      %lt3A_136 = arith.cmpi slt, %while3A_132, %lt3A : i32
      %convert_element_type3A_137 = arith.extui %lt3A_136 : i1 to i32
      %cond3A = arith.constant 0 : i32
      %cond3A_138 = arith.cmpi ne, %convert_element_type3A_137, %cond3A : i32
      scf.if %cond3A_138 {
        %mul3A_227 = arith.constant 4096 : i32
        %mul3A_228 = arith.muli %while3A_132, %mul3A_227 : i32
        %dma_start3A_229 = arith.constant 0 : i32
        %dma_start3A_230 = tpu.memref_slice %arg6[%mul3A_228, %dma_start3A_229] : memref<100000x128xf32, #tpu.memory_space<any>> -> memref<4096x128xf32, #tpu.memory_space<any>>
        tpu.enqueue_dma source(%dma_start3A_230 : memref<4096x128xf32, #tpu.memory_space<any>>) target(%arg9 : memref<4096x128xf32, #tpu.memory_space<vmem>>) target_semaphore(%arg12 : memref<!tpu.dma_semaphore, #tpu.memory_space<semaphore_mem>>)
        %dma_wait3A_231 = arith.constant 0 : i32
        %dma_wait3A_232 = tpu.memref_slice %arg6[%mul3A_228, %dma_wait3A_231] : memref<100000x128xf32, #tpu.memory_space<any>> -> memref<4096x128xf32, #tpu.memory_space<any>>
        tpu.wait_dma2 semaphore(%arg12 : memref<!tpu.dma_semaphore, #tpu.memory_space<semaphore_mem>>) src(%dma_wait3A_232 : memref<4096x128xf32, #tpu.memory_space<any>>) dst(%arg9 : memref<4096x128xf32, #tpu.memory_space<vmem>>)
      } else {
      }
      %eq3A_139 = arith.constant 24 : i32
      %eq3A_140 = arith.cmpi eq, %while3A_132, %eq3A_139 : i32
      %convert_element_type3A_141 = arith.extui %eq3A_140 : i1 to i32
      %cond3A_142 = arith.constant 0 : i32
      %cond3A_143 = arith.cmpi ne, %convert_element_type3A_141, %cond3A_142 : i32
      scf.if %cond3A_143 {
        %dma_start3A_227 = arith.constant 0 : i32
        %dma_start3A_228 = arith.constant 0 : i32
        %dma_start3A_229 = tpu.memref_slice %arg9[%dma_start3A_227, %dma_start3A_228] : memref<4096x128xf32, #tpu.memory_space<vmem>> -> memref<1696x128xf32, #tpu.memory_space<vmem>>
        %dma_start3A_230 = arith.constant 98304 : i32
        %dma_start3A_231 = arith.constant 0 : i32
        %dma_start3A_232 = tpu.memref_slice %arg6[%dma_start3A_230, %dma_start3A_231] : memref<100000x128xf32, #tpu.memory_space<any>> -> memref<1696x128xf32, #tpu.memory_space<any>>
        tpu.enqueue_dma source(%dma_start3A_232 : memref<1696x128xf32, #tpu.memory_space<any>>) target(%dma_start3A_229 : memref<1696x128xf32, #tpu.memory_space<vmem>>) target_semaphore(%arg12 : memref<!tpu.dma_semaphore, #tpu.memory_space<semaphore_mem>>)
        %dma_wait3A_233 = arith.constant 0 : i32
        %dma_wait3A_234 = arith.constant 0 : i32
        %dma_wait3A_235 = tpu.memref_slice %arg9[%dma_wait3A_233, %dma_wait3A_234] : memref<4096x128xf32, #tpu.memory_space<vmem>> -> memref<1696x128xf32, #tpu.memory_space<vmem>>
        %dma_wait3A_236 = arith.constant 98304 : i32
        %dma_wait3A_237 = arith.constant 0 : i32
        %dma_wait3A_238 = tpu.memref_slice %arg6[%dma_wait3A_236, %dma_wait3A_237] : memref<100000x128xf32, #tpu.memory_space<any>> -> memref<1696x128xf32, #tpu.memory_space<any>>
        tpu.wait_dma2 semaphore(%arg12 : memref<!tpu.dma_semaphore, #tpu.memory_space<semaphore_mem>>) src(%dma_wait3A_238 : memref<1696x128xf32, #tpu.memory_space<any>>) dst(%dma_wait3A_235 : memref<1696x128xf32, #tpu.memory_space<vmem>>)
      } else {
      }
      %dma_wait3A = arith.constant 0 : i32
      %dma_wait3A_144 = tpu.memref_slice %arg7[%dma_wait3A, %mul3A_134] : memref<2x102400xf32, #tpu.memory_space<any>> -> memref<2x4096xf32, #tpu.memory_space<any>>
      tpu.wait_dma2 semaphore(%arg13 : memref<!tpu.dma_semaphore, #tpu.memory_space<semaphore_mem>>) src(%dma_wait3A_144 : memref<2x4096xf32, #tpu.memory_space<any>>) dst(%arg10 : memref<2x4096xf32, #tpu.memory_space<vmem>>)
      %get3A_145 = arith.constant 0 : index
      %get3A_146 = arith.constant 0 : index
      %get3A_147 = vector.load %arg9[%get3A_145, %get3A_146] : memref<4096x128xf32, #tpu.memory_space<vmem>>, vector<4096x128xf32>
      %dot_general3A_148 = arith.constant dense<0.000000e+00> : vector<256x4096xf32>
      %dot_general3A_149 = tpu.matmul %div3A_5, %get3A_147, %dot_general3A_148 {dimension_numbers = #tpu.dot_dimension_numbers<[1], [1], [0], [0], [0, 0, 1, 0], [], []>, precision = #tpu.contract_precision<fp32>, transpose_lhs_hint = false} : vector<256x128xf32>, vector<4096x128xf32>, vector<256x4096xf32> -> vector<256x4096xf32>
      %iota3A_150 = tpu.iota {dimensions = array<i32: 1>} : vector<1x4096xi32>
      %mul3A_151 = arith.constant 4096 : i32
      %mul3A_152 = arith.muli %while3A_132, %mul3A_151 : i32
      %add3A_153 = vector.broadcast %mul3A_152 : i32 to vector<1x4096xi32>
      %add3A_154 = arith.addi %iota3A_150, %add3A_153 : vector<1x4096xi32>
      %get3A_155 = arith.constant 0 : index
      %get3A_156 = arith.constant 0 : index
      %get3A_157 = vector.load %arg10[%get3A_155, %get3A_156] : memref<2x4096xf32, #tpu.memory_space<vmem>>, vector<1x4096xf32>
      %get3A_158 = arith.constant 1 : index
      %get3A_159 = arith.constant 0 : index
      %get3A_160 = vector.load %arg10[%get3A_158, %get3A_159] : memref<2x4096xf32, #tpu.memory_space<vmem>>, vector<1x4096xf32>
      %mul3A_161 = arith.constant 0.0174532924 : f32
      %mul3A_162 = vector.broadcast %mul3A_161 : f32 to vector<1x4096xf32>
      %mul3A_163 = arith.mulf %get3A_157, %mul3A_162 : vector<1x4096xf32>
      %mul3A_164 = arith.constant 0.0174532924 : f32
      %mul3A_165 = vector.broadcast %mul3A_164 : f32 to vector<1x4096xf32>
      %mul3A_166 = arith.mulf %get3A_160, %mul3A_165 : vector<1x4096xf32>
      %mul3A_167 = arith.constant 5.000000e-01 : f32
      %mul3A_168 = vector.broadcast %mul3A_167 : f32 to vector<1x4096xf32>
      %mul3A_169 = arith.mulf %mul3A_163, %mul3A_168 : vector<1x4096xf32>
      %sin3A_170 = math.sin %mul3A_169 : vector<1x4096xf32>
      %mul3A_171 = arith.constant 5.000000e-01 : f32
      %mul3A_172 = vector.broadcast %mul3A_171 : f32 to vector<1x4096xf32>
      %mul3A_173 = arith.mulf %mul3A_163, %mul3A_172 : vector<1x4096xf32>
      %cos3A_174 = math.cos %mul3A_173 : vector<1x4096xf32>
      %mul3A_175 = arith.constant 5.000000e-01 : f32
      %mul3A_176 = vector.broadcast %mul3A_175 : f32 to vector<1x4096xf32>
      %mul3A_177 = arith.mulf %mul3A_166, %mul3A_176 : vector<1x4096xf32>
      %sin3A_178 = math.sin %mul3A_177 : vector<1x4096xf32>
      %mul3A_179 = arith.constant 5.000000e-01 : f32
      %mul3A_180 = vector.broadcast %mul3A_179 : f32 to vector<1x4096xf32>
      %mul3A_181 = arith.mulf %mul3A_166, %mul3A_180 : vector<1x4096xf32>
      %cos3A_182 = math.cos %mul3A_181 : vector<1x4096xf32>
      %cos3A_183 = math.cos %mul3A_163 : vector<1x4096xf32>
      %mul3A_184 = vector.broadcast %sin3A_170 : vector<1x4096xf32> to vector<256x4096xf32>
      %mul3A_185 = vector.broadcast %cos3A : vector<256x1xf32> to vector<256x4096xf32>
      %mul3A_186 = arith.mulf %mul3A_184, %mul3A_185 : vector<256x4096xf32>
      %mul3A_187 = vector.broadcast %cos3A_174 : vector<1x4096xf32> to vector<256x4096xf32>
      %mul3A_188 = vector.broadcast %sin3A : vector<256x1xf32> to vector<256x4096xf32>
      %mul3A_189 = arith.mulf %mul3A_187, %mul3A_188 : vector<256x4096xf32>
      %sub3A_190 = arith.subf %mul3A_186, %mul3A_189 : vector<256x4096xf32>
      %mul3A_191 = vector.broadcast %sin3A_178 : vector<1x4096xf32> to vector<256x4096xf32>
      %mul3A_192 = vector.broadcast %cos3A_65 : vector<256x1xf32> to vector<256x4096xf32>
      %mul3A_193 = arith.mulf %mul3A_191, %mul3A_192 : vector<256x4096xf32>
      %mul3A_194 = vector.broadcast %cos3A_182 : vector<1x4096xf32> to vector<256x4096xf32>
      %mul3A_195 = vector.broadcast %sin3A_61 : vector<256x1xf32> to vector<256x4096xf32>
      %mul3A_196 = arith.mulf %mul3A_194, %mul3A_195 : vector<256x4096xf32>
      %sub3A_197 = arith.subf %mul3A_193, %mul3A_196 : vector<256x4096xf32>
      %mul3A_198 = arith.mulf %sub3A_190, %sub3A_190 : vector<256x4096xf32>
      %mul3A_199 = vector.broadcast %cos3A_66 : vector<256x1xf32> to vector<256x4096xf32>
      %mul3A_200 = vector.broadcast %cos3A_183 : vector<1x4096xf32> to vector<256x4096xf32>
      %mul3A_201 = arith.mulf %mul3A_199, %mul3A_200 : vector<256x4096xf32>
      %mul3A_202 = arith.mulf %sub3A_197, %sub3A_197 : vector<256x4096xf32>
      %mul3A_203 = arith.mulf %mul3A_201, %mul3A_202 : vector<256x4096xf32>
      %add3A_204 = arith.addf %mul3A_198, %mul3A_203 : vector<256x4096xf32>
      %gt3A = arith.constant 3.84949954E-6 : f32
      %gt3A_205 = vector.broadcast %gt3A : f32 to vector<256x4096xf32>
      %gt3A_206 = arith.cmpf ogt, %add3A_204, %gt3A_205 : vector<256x4096xf32>
      %le3A = vector.broadcast %add3A_154 : vector<1x4096xi32> to vector<256x4096xi32>
      %le3A_207 = vector.broadcast %get3A_69 : vector<256x1xi32> to vector<256x4096xi32>
      %le3A_208 = arith.cmpi sle, %le3A, %le3A_207 : vector<256x4096xi32>
      %and3A_209 = arith.andi %gt3A_206, %le3A_208 : vector<256x4096xi1>
      %get3A_210 = arith.constant 0 : index
      %get3A_211 = arith.constant 0 : index
      %get3A_212 = vector.load %arg11[%get3A_210, %get3A_211] : memref<256x1xf32, #tpu.memory_space<vmem>>, vector<256x1xf32>
      %div3A_213 = arith.constant 1.000000e-01 : f32
      %div3A_214 = vector.broadcast %div3A_213 : f32 to vector<256x4096xf32>
      %div3A_215 = arith.divf %dot_general3A_149, %div3A_214 : vector<256x4096xf32>
      %exp3A_216 = math.exp %div3A_215 : vector<256x4096xf32>
      %jit3A_217 = arith.constant 0.000000e+00 : f32
      %broadcast_in_dim3A_218 = vector.broadcast %jit3A_217 : f32 to vector<256x4096xf32>
      %select_n3A_219 = arith.select %and3A_209, %exp3A_216, %broadcast_in_dim3A_218 : vector<256x4096xi1>, vector<256x4096xf32>
      %reduce_sum3A_220 = arith.constant dense<0.000000e+00> : vector<256xf32>
      %reduce_sum3A_221 = vector.multi_reduction <add>, %select_n3A_219, %reduce_sum3A_220 [1] : vector<256x4096xf32> to vector<256xf32>
      %broadcast_in_dim3A_222 = vector.shape_cast %reduce_sum3A_221 : vector<256xf32> to vector<256x1xf32>
      %add3A_223 = arith.addf %get3A_212, %broadcast_in_dim3A_222 : vector<256x1xf32>
      %swap3A_224 = arith.constant 0 : index
      %swap3A_225 = arith.constant 0 : index
      %swap3A_226 = vector.load %arg11[%swap3A_224, %swap3A_225] : memref<256x1xf32, #tpu.memory_space<vmem>>, vector<256x1xf32>
      tpu.vector_store %arg11[%swap3A_224, %swap3A_225], %add3A_223 {strides = array<i32>} : memref<256x1xf32, #tpu.memory_space<vmem>>, vector<256x1xf32>,
    }
    %while3A_106 = arith.constant 1 : i32
    scf.for %while3A_132 = %while3A_104 to %while3A_100 step %while3A_106  : i32 {
      %mul3A_133 = arith.constant 4096 : i32
      %mul3A_134 = arith.muli %while3A_132, %mul3A_133 : i32
      %dma_start3A = arith.constant 0 : i32
      %dma_start3A_135 = tpu.memref_slice %arg7[%dma_start3A, %mul3A_134] : memref<2x102400xf32, #tpu.memory_space<any>> -> memref<2x4096xf32, #tpu.memory_space<any>>
      tpu.enqueue_dma source(%dma_start3A_135 : memref<2x4096xf32, #tpu.memory_space<any>>) target(%arg10 : memref<2x4096xf32, #tpu.memory_space<vmem>>) target_semaphore(%arg13 : memref<!tpu.dma_semaphore, #tpu.memory_space<semaphore_mem>>)
      %lt3A = arith.constant 24 : i32
      %lt3A_136 = arith.cmpi slt, %while3A_132, %lt3A : i32
      %convert_element_type3A_137 = arith.extui %lt3A_136 : i1 to i32
      %cond3A = arith.constant 0 : i32
      %cond3A_138 = arith.cmpi ne, %convert_element_type3A_137, %cond3A : i32
      scf.if %cond3A_138 {
        %mul3A_227 = arith.constant 4096 : i32
        %mul3A_228 = arith.muli %while3A_132, %mul3A_227 : i32
        %dma_start3A_229 = arith.constant 0 : i32
        %dma_start3A_230 = tpu.memref_slice %arg6[%mul3A_228, %dma_start3A_229] : memref<100000x128xf32, #tpu.memory_space<any>> -> memref<4096x128xf32, #tpu.memory_space<any>>
        tpu.enqueue_dma source(%dma_start3A_230 : memref<4096x128xf32, #tpu.memory_space<any>>) target(%arg9 : memref<4096x128xf32, #tpu.memory_space<vmem>>) target_semaphore(%arg12 : memref<!tpu.dma_semaphore, #tpu.memory_space<semaphore_mem>>)
        %dma_wait3A_231 = arith.constant 0 : i32
        %dma_wait3A_232 = tpu.memref_slice %arg6[%mul3A_228, %dma_wait3A_231] : memref<100000x128xf32, #tpu.memory_space<any>> -> memref<4096x128xf32, #tpu.memory_space<any>>
        tpu.wait_dma2 semaphore(%arg12 : memref<!tpu.dma_semaphore, #tpu.memory_space<semaphore_mem>>) src(%dma_wait3A_232 : memref<4096x128xf32, #tpu.memory_space<any>>) dst(%arg9 : memref<4096x128xf32, #tpu.memory_space<vmem>>)
      } else {
      }
      %eq3A_139 = arith.constant 24 : i32
      %eq3A_140 = arith.cmpi eq, %while3A_132, %eq3A_139 : i32
      %convert_element_type3A_141 = arith.extui %eq3A_140 : i1 to i32
      %cond3A_142 = arith.constant 0 : i32
      %cond3A_143 = arith.cmpi ne, %convert_element_type3A_141, %cond3A_142 : i32
      scf.if %cond3A_143 {
        %dma_start3A_227 = arith.constant 0 : i32
        %dma_start3A_228 = arith.constant 0 : i32
        %dma_start3A_229 = tpu.memref_slice %arg9[%dma_start3A_227, %dma_start3A_228] : memref<4096x128xf32, #tpu.memory_space<vmem>> -> memref<1696x128xf32, #tpu.memory_space<vmem>>
        %dma_start3A_230 = arith.constant 98304 : i32
        %dma_start3A_231 = arith.constant 0 : i32
        %dma_start3A_232 = tpu.memref_slice %arg6[%dma_start3A_230, %dma_start3A_231] : memref<100000x128xf32, #tpu.memory_space<any>> -> memref<1696x128xf32, #tpu.memory_space<any>>
        tpu.enqueue_dma source(%dma_start3A_232 : memref<1696x128xf32, #tpu.memory_space<any>>) target(%dma_start3A_229 : memref<1696x128xf32, #tpu.memory_space<vmem>>) target_semaphore(%arg12 : memref<!tpu.dma_semaphore, #tpu.memory_space<semaphore_mem>>)
        %dma_wait3A_233 = arith.constant 0 : i32
        %dma_wait3A_234 = arith.constant 0 : i32
        %dma_wait3A_235 = tpu.memref_slice %arg9[%dma_wait3A_233, %dma_wait3A_234] : memref<4096x128xf32, #tpu.memory_space<vmem>> -> memref<1696x128xf32, #tpu.memory_space<vmem>>
        %dma_wait3A_236 = arith.constant 98304 : i32
        %dma_wait3A_237 = arith.constant 0 : i32
        %dma_wait3A_238 = tpu.memref_slice %arg6[%dma_wait3A_236, %dma_wait3A_237] : memref<100000x128xf32, #tpu.memory_space<any>> -> memref<1696x128xf32, #tpu.memory_space<any>>
        tpu.wait_dma2 semaphore(%arg12 : memref<!tpu.dma_semaphore, #tpu.memory_space<semaphore_mem>>) src(%dma_wait3A_238 : memref<1696x128xf32, #tpu.memory_space<any>>) dst(%dma_wait3A_235 : memref<1696x128xf32, #tpu.memory_space<vmem>>)
      } else {
      }
      %dma_wait3A = arith.constant 0 : i32
      %dma_wait3A_144 = tpu.memref_slice %arg7[%dma_wait3A, %mul3A_134] : memref<2x102400xf32, #tpu.memory_space<any>> -> memref<2x4096xf32, #tpu.memory_space<any>>
      tpu.wait_dma2 semaphore(%arg13 : memref<!tpu.dma_semaphore, #tpu.memory_space<semaphore_mem>>) src(%dma_wait3A_144 : memref<2x4096xf32, #tpu.memory_space<any>>) dst(%arg10 : memref<2x4096xf32, #tpu.memory_space<vmem>>)
      %get3A_145 = arith.constant 0 : index
      %get3A_146 = arith.constant 0 : index
      %get3A_147 = vector.load %arg9[%get3A_145, %get3A_146] : memref<4096x128xf32, #tpu.memory_space<vmem>>, vector<4096x128xf32>
      %dot_general3A_148 = arith.constant dense<0.000000e+00> : vector<256x4096xf32>
      %dot_general3A_149 = tpu.matmul %div3A_5, %get3A_147, %dot_general3A_148 {dimension_numbers = #tpu.dot_dimension_numbers<[1], [1], [0], [0], [0, 0, 1, 0], [], []>, precision = #tpu.contract_precision<fp32>, transpose_lhs_hint = false} : vector<256x128xf32>, vector<4096x128xf32>, vector<256x4096xf32> -> vector<256x4096xf32>
      %iota3A_150 = tpu.iota {dimensions = array<i32: 1>} : vector<1x4096xi32>
      %mul3A_151 = arith.constant 4096 : i32
      %mul3A_152 = arith.muli %while3A_132, %mul3A_151 : i32
      %add3A_153 = vector.broadcast %mul3A_152 : i32 to vector<1x4096xi32>
      %add3A_154 = arith.addi %iota3A_150, %add3A_153 : vector<1x4096xi32>
      %get3A_155 = arith.constant 0 : index
      %get3A_156 = arith.constant 0 : index
      %get3A_157 = vector.load %arg10[%get3A_155, %get3A_156] : memref<2x4096xf32, #tpu.memory_space<vmem>>, vector<1x4096xf32>
      %get3A_158 = arith.constant 1 : index
      %get3A_159 = arith.constant 0 : index
      %get3A_160 = vector.load %arg10[%get3A_158, %get3A_159] : memref<2x4096xf32, #tpu.memory_space<vmem>>, vector<1x4096xf32>
      %mul3A_161 = arith.constant 0.0174532924 : f32
      %mul3A_162 = vector.broadcast %mul3A_161 : f32 to vector<1x4096xf32>
      %mul3A_163 = arith.mulf %get3A_157, %mul3A_162 : vector<1x4096xf32>
      %mul3A_164 = arith.constant 0.0174532924 : f32
      %mul3A_165 = vector.broadcast %mul3A_164 : f32 to vector<1x4096xf32>
      %mul3A_166 = arith.mulf %get3A_160, %mul3A_165 : vector<1x4096xf32>
      %mul3A_167 = arith.constant 5.000000e-01 : f32
      %mul3A_168 = vector.broadcast %mul3A_167 : f32 to vector<1x4096xf32>
      %mul3A_169 = arith.mulf %mul3A_163, %mul3A_168 : vector<1x4096xf32>
      %sin3A_170 = math.sin %mul3A_169 : vector<1x4096xf32>
      %mul3A_171 = arith.constant 5.000000e-01 : f32
      %mul3A_172 = vector.broadcast %mul3A_171 : f32 to vector<1x4096xf32>
      %mul3A_173 = arith.mulf %mul3A_163, %mul3A_172 : vector<1x4096xf32>
      %cos3A_174 = math.cos %mul3A_173 : vector<1x4096xf32>
      %mul3A_175 = arith.constant 5.000000e-01 : f32
      %mul3A_176 = vector.broadcast %mul3A_175 : f32 to vector<1x4096xf32>
      %mul3A_177 = arith.mulf %mul3A_166, %mul3A_176 : vector<1x4096xf32>
      %sin3A_178 = math.sin %mul3A_177 : vector<1x4096xf32>
      %mul3A_179 = arith.constant 5.000000e-01 : f32
      %mul3A_180 = vector.broadcast %mul3A_179 : f32 to vector<1x4096xf32>
      %mul3A_181 = arith.mulf %mul3A_166, %mul3A_180 : vector<1x4096xf32>
      %cos3A_182 = math.cos %mul3A_181 : vector<1x4096xf32>
      %cos3A_183 = math.cos %mul3A_163 : vector<1x4096xf32>
      %mul3A_184 = vector.broadcast %sin3A_170 : vector<1x4096xf32> to vector<256x4096xf32>
      %mul3A_185 = vector.broadcast %cos3A : vector<256x1xf32> to vector<256x4096xf32>
      %mul3A_186 = arith.mulf %mul3A_184, %mul3A_185 : vector<256x4096xf32>
      %mul3A_187 = vector.broadcast %cos3A_174 : vector<1x4096xf32> to vector<256x4096xf32>
      %mul3A_188 = vector.broadcast %sin3A : vector<256x1xf32> to vector<256x4096xf32>
      %mul3A_189 = arith.mulf %mul3A_187, %mul3A_188 : vector<256x4096xf32>
      %sub3A_190 = arith.subf %mul3A_186, %mul3A_189 : vector<256x4096xf32>
      %mul3A_191 = vector.broadcast %sin3A_178 : vector<1x4096xf32> to vector<256x4096xf32>
      %mul3A_192 = vector.broadcast %cos3A_65 : vector<256x1xf32> to vector<256x4096xf32>
      %mul3A_193 = arith.mulf %mul3A_191, %mul3A_192 : vector<256x4096xf32>
      %mul3A_194 = vector.broadcast %cos3A_182 : vector<1x4096xf32> to vector<256x4096xf32>
      %mul3A_195 = vector.broadcast %sin3A_61 : vector<256x1xf32> to vector<256x4096xf32>
      %mul3A_196 = arith.mulf %mul3A_194, %mul3A_195 : vector<256x4096xf32>
      %sub3A_197 = arith.subf %mul3A_193, %mul3A_196 : vector<256x4096xf32>
      %mul3A_198 = arith.mulf %sub3A_190, %sub3A_190 : vector<256x4096xf32>
      %mul3A_199 = vector.broadcast %cos3A_66 : vector<256x1xf32> to vector<256x4096xf32>
      %mul3A_200 = vector.broadcast %cos3A_183 : vector<1x4096xf32> to vector<256x4096xf32>
      %mul3A_201 = arith.mulf %mul3A_199, %mul3A_200 : vector<256x4096xf32>
      %mul3A_202 = arith.mulf %sub3A_197, %sub3A_197 : vector<256x4096xf32>
      %mul3A_203 = arith.mulf %mul3A_201, %mul3A_202 : vector<256x4096xf32>
      %add3A_204 = arith.addf %mul3A_198, %mul3A_203 : vector<256x4096xf32>
      %gt3A = arith.constant 3.84949954E-6 : f32
      %gt3A_205 = vector.broadcast %gt3A : f32 to vector<256x4096xf32>
      %gt3A_206 = arith.cmpf ogt, %add3A_204, %gt3A_205 : vector<256x4096xf32>
      %le3A = vector.broadcast %add3A_154 : vector<1x4096xi32> to vector<256x4096xi32>
      %le3A_207 = vector.broadcast %get3A_69 : vector<256x1xi32> to vector<256x4096xi32>
      %le3A_208 = arith.cmpi sle, %le3A, %le3A_207 : vector<256x4096xi32>
      %and3A_209 = arith.andi %gt3A_206, %le3A_208 : vector<256x4096xi1>
      %get3A_210 = arith.constant 0 : index
      %get3A_211 = arith.constant 0 : index
      %get3A_212 = vector.load %arg11[%get3A_210, %get3A_211] : memref<256x1xf32, #tpu.memory_space<vmem>>, vector<256x1xf32>
      %div3A_213 = arith.constant 1.000000e-01 : f32
      %div3A_214 = vector.broadcast %div3A_213 : f32 to vector<256x4096xf32>
      %div3A_215 = arith.divf %dot_general3A_149, %div3A_214 : vector<256x4096xf32>
      %exp3A_216 = math.exp %div3A_215 : vector<256x4096xf32>
      %jit3A_217 = arith.constant 0.000000e+00 : f32
      %broadcast_in_dim3A_218 = vector.broadcast %jit3A_217 : f32 to vector<256x4096xf32>
      %select_n3A_219 = arith.select %and3A_209, %exp3A_216, %broadcast_in_dim3A_218 : vector<256x4096xi1>, vector<256x4096xf32>
      %reduce_sum3A_220 = arith.constant dense<0.000000e+00> : vector<256xf32>
      %reduce_sum3A_221 = vector.multi_reduction <add>, %select_n3A_219, %reduce_sum3A_220 [1] : vector<256x4096xf32> to vector<256xf32>
      %broadcast_in_dim3A_222 = vector.shape_cast %reduce_sum3A_221 : vector<256xf32> to vector<256x1xf32>
      %add3A_223 = arith.addf %get3A_212, %broadcast_in_dim3A_222 : vector<256x1xf32>
      %swap3A_224 = arith.constant 0 : index
      %swap3A_225 = arith.constant 0 : index
      %swap3A_226 = vector.load %arg11[%swap3A_224, %swap3A_225] : memref<256x1xf32, #tpu.memory_space<vmem>>, vector<256x1xf32>
      tpu.vector_store %arg11[%swap3A_224, %swap3A_225], %add3A_223 {strides = array<i32>} : memref<256x1xf32, #tpu.memory_space<vmem>>, vector<256x1xf32>,
    }
    %get3A_107 = arith.constant 0 : index
    %get3A_108 = arith.constant 0 : index
    %get3A_109 = vector.load %arg5[%get3A_107, %get3A_108] : memref<256x1xi32, #tpu.memory_space<vmem>>, vector<256x1xi32>
    %min3A = arith.constant 512 : i32
    %min3A_110 = vector.broadcast %min3A : i32 to vector<256x1xi32>
    %min3A_111 = arith.minsi %get3A_109, %min3A_110 : vector<256x1xi32>
    %sub3A_112 = arith.constant 512 : i32
    %sub3A_113 = vector.broadcast %sub3A_112 : i32 to vector<256x1xi32>
    %sub3A_114 = arith.subi %sub3A_113, %min3A_111 : vector<256x1xi32>
    %convert_element_type3A = arith.sitofp %sub3A_114 : vector<256x1xi32> to vector<256x1xf32>
    %get3A_115 = arith.constant 0 : index
    %get3A_116 = arith.constant 0 : index
    %get3A_117 = vector.load %arg11[%get3A_115, %get3A_116] : memref<256x1xf32, #tpu.memory_space<vmem>>, vector<256x1xf32>
    %add3A_118 = arith.addf %get3A_117, %convert_element_type3A : vector<256x1xf32>
    %add3A_119 = arith.addf %broadcast_in_dim3A_39, %add3A_118 : vector<256x1xf32>
    %log3A = math.log %add3A_119 : vector<256x1xf32>
    %sub3A_120 = arith.subf %div3A_33, %log3A : vector<256x1xf32>
    %reduce_sum3A_121 = arith.constant dense<0.000000e+00> : vector<1xf32>
    %reduce_sum3A_122 = vector.multi_reduction <add>, %sub3A_120, %reduce_sum3A_121 [0] : vector<256x1xf32> to vector<1xf32>
    %broadcast_in_dim3A_123 = vector.shape_cast %reduce_sum3A_122 : vector<1xf32> to vector<1x1xf32>
    %neg3A = arith.constant 0.000000e+00 : f32
    %neg3A_124 = vector.broadcast %neg3A : f32 to vector<1x1xf32>
    %neg3A_125 = arith.subf %neg3A_124, %broadcast_in_dim3A_123 : vector<1x1xf32>
    %div3A_126 = arith.constant 2.560000e+02 : f32
    %div3A_127 = vector.broadcast %div3A_126 : f32 to vector<1x1xf32>
    %div3A_128 = arith.divf %neg3A_125, %div3A_127 : vector<1x1xf32>
    %swap3A_129 = arith.constant 0 : index
    %swap3A_130 = arith.constant 0 : index
    %swap3A_131 = vector.load %arg8[%swap3A_129, %swap3A_130] : memref<1x1xf32, #tpu.memory_space<vmem>>, vector<1x1xf32>
    tpu.vector_store %arg8[%swap3A_129, %swap3A_130], %div3A_128 {strides = array<i32>} : memref<1x1xf32, #tpu.memory_space<vmem>>, vector<1x1xf32>,
    return
  }
}

</mosaic_0001>

<sc_bundles>
// kernel: kernel.5.cloned.1.call-start
scs
__scs_entry_jumppad:
0x0: {  	(pc) =	sbr.rel $0x88, $3  }
0x1: {  	(tag) =	ssettag $0x0;
	lr =	simm.s32 $0x1  }
0x2: {  	[smem:$0x3F9C] =	sst lr;
	_ =	strace $0xD0000000  }
0x3: {  	_ = 	snop  }
0x4: {  	_ = 	snop  }
0x5: {  	_ = 	snop  }
0x6: {  	_ = 	snop  }
0x7: {  	_ = 	snop  }
__scs_overlays_trampoline_lowered:
0x8: {  	[smem:$0x3FAB] =	sst s0  }
0x9: {  	[smem:$0x3FAC] =	sst s1  }
0xa: {  	[smem:$0x3FAD] =	sst s2  }
0xb: {  	[smem:$0x3FAE] =	sst s3  }
0xc: {  	[smem:$0x3FAF] =	sst s4  }
0xd: {  	[smem:$0x3FB0] =	sst s5  }
0xe: {  	[smem:$0x3FB1] =	sst s6  }
0xf: {  	[smem:$0x3FB2] =	sst s7  }
0x10: {  	[smem:$0x3FB3] =	sst s8  }
0x11: {  	[smem:$0x3FB4] =	sst s9;
	s0 =	simm.s32 @!p0 $0x0  }
0x12: {  	s1 =	sld [smem:$0x3F9A];
	s0 =	simm.s32 @p0 $0x1  }
0x13: {  	[smem:$0x3FB5] =	sst s0;
	s0 =	simm.s32 @!p1 $0x0  }
0x14: {  	s2 =	sld [smem:$0x3F99];
	s0 =	simm.s32 @p1 $0x1  }
0x15: {  	[smem:$0x3FB6] =	sst s0;
	s0 =	simm.s32 @!p2 $0x0  }
0x16: {  	s3 =	sld [smem:$0x3FDB];
	s0 =	simm.s32 @p2 $0x1  }
0x17: {  	s4 =	simm.s32 $0x1BF5;
	[smem:$0x3FB8] =	sst s0  }
0x18: {  	s0 =	sld [smem:$0x3F9B];
	_ =	swait.ge [sflag:s4], $0x0  }
0x19: {  	s7 =	sld [smem:$0x3F9C]  }
0x1a: {  	s8 =	sadd.s32 $0xFFFFE003, lr  }
0x1b: {  	s9 =	sadd.s32 $0xFFFFFEF7, lr;
	s5 =	simm.s32 $0xFFFFFFFF;
	p2 =	slt.u32 s8, $0xFFFFF086  }
0x1c: {  	p1 =	slt.u32 s9, $0xF7A;
	s5 =	simm.s32 @!p2 $0x0  }
0x1d: {  	s5 =	simm.s32 @p1 $0x1;
	p0 =	seq.s32 s7, s2  }
0x1e: {  	s7 =	smul.u32 @!p0 $0xF7A, s2;
	p2 =	seq.s32 @!p0 s5, $0x0  }
0x1f: {  	s9 =	smul.u32 $0xF7A, s1;
	s8 =	simm.s32 @!p0 $0x1BF5;
	p2 =	por !p2, p0  }
0x20: {  	[sflag:s8] =	ssyncset.s32 @!p0 $0xFFFFF086;
	s6 =	sadd.s32 @!p0 s3, s7;
	s7 =	simm.s32 @!p0 $0x108  }
0x21: {  	s3 =	sadd.s32 s3, s9;
	s6 =	sadd.s32 @!p0 $0x88, s6;
	s7 =	simm.s32 @p2 $0x1082  }
0x22: {  	[simem:s7], [sflag:s8] =	dma.local @!p0 [hbm:s6], $0xF7A  }
0x23: {  	s9 =	sor.u32 $0xD0000000, s2;
	s6 =	simm.s32 $0x108;
	_ =	swait.ge @!p0 [sflag:s8], $0x0  }
0x24: {  	s3 =	sadd.s32 $0x88, s3;
	s6 =	simm.s32 @!p1 $0x1082;
	[sflag:s4] =	ssyncset.s32 $0xFFFFF086  }
0x25: {  	[simem:s6], [sflag:s4] =	dma.local [hbm:s3], $0xF7A  }
0x26: {  	[smem:$0x3F9C] =	sst s1;
	(tag) =	ssettag s2;
	_ =	strace s9  }
0x27: {  	s1 =	sld [smem:$0x3FAC]  }
0x28: {  	s2 =	sld [smem:$0x3FAD]  }
0x29: {  	s4 =	sld [smem:$0x3FAF]  }
0x2a: {  	p0 =	seq.s32 s5, $0x0;
	s5 =	sld [smem:$0x3FB0]  }
0x2b: {  	s6 =	sld [smem:$0x3FB1]  }
0x2c: {  	s7 =	sld [smem:$0x3FB2]  }
0x2d: {  	s3 =	simm.s32 $0x108;
	s8 =	sld [smem:$0x3FB3]  }
0x2e: {  	s3 =	simm.s32 @!p0 $0x1082;
	s9 =	sld [smem:$0x3FB4]  }
0x2f: {  	lr =	sadd.s32 s0, s3;
	s0 =	sld [smem:$0x3FAB]  }
0x30: {  	s3 =	sld [smem:$0x3FAE]  }
0x31: {  	[smem:$0x3FB7] =	sst s10  }
0x32: {  	s10 =	sld [smem:$0x3FB5];
	_ =	sdelay $0x3  }
0x33: {  	p0 =	seq.s32 s10, $0x1;
	s10 =	sld [smem:$0x3FB7];
	_ =	sdelay $0x3  }
0x34: {  	[smem:$0x3FB7] =	sst s10  }
0x35: {  	s10 =	sld [smem:$0x3FB6];
	_ =	sdelay $0x3  }
0x36: {  	p1 =	seq.s32 s10, $0x1;
	s10 =	sld [smem:$0x3FB7];
	_ =	sdelay $0x3  }
0x37: {  	[smem:$0x3FB7] =	sst s10  }
0x38: {  	s10 =	sld [smem:$0x3FB8]  }
0x39: {  	_ = 	snop;
	(pc) =	sbr.ind lr, $3  }
0x3a: {  	_ = 	snop  }
0x3b: {  	_ = 	snop  }
0x3c: {  	p2 =	seq.s32 s10, $0x1;
	s10 =	sld [smem:$0x3FB7]  }
0x3d: {  	_ =	shalt  }
0x3e: {  	_ =	shalt  }
0x3f: {  	_ =	shalt  }
0x40: {  	_ =	shalt  }
0x41: {  	_ =	shalt  }
0x42: {  	_ =	shalt  }
0x43: {  	_ =	shalt  }
0x44: {  	_ =	shalt  }
0x45: {  	_ =	shalt  }
0x46: {  	_ =	shalt  }
0x47: {  	_ =	shalt  }
0x48: {  	_ =	shalt  }
0x49: {  	_ =	shalt  }
0x4a: {  	_ =	shalt  }
0x4b: {  	_ =	shalt  }
0x4c: {  	_ =	shalt  }
0x4d: {  	_ =	shalt  }
0x4e: {  	_ =	shalt  }
0x4f: {  	_ =	shalt  }
0x50: {  	_ =	shalt  }
0x51: {  	_ =	shalt  }
0x52: {  	_ =	shalt  }
0x53: {  	_ =	shalt  }
0x54: {  	_ =	shalt  }
0x55: {  	_ =	shalt  }
0x56: {  	_ =	shalt  }
0x57: {  	_ =	shalt  }
0x58: {  	_ =	shalt  }
0x59: {  	_ =	shalt  }
0x5a: {  	_ =	shalt  }
0x5b: {  	_ =	shalt  }
0x5c: {  	_ =	shalt  }
0x5d: {  	_ =	shalt  }
0x5e: {  	_ =	shalt  }
0x5f: {  	_ =	shalt  }
0x60: {  	_ =	shalt  }
0x61: {  	_ =	shalt  }
0x62: {  	_ =	shalt  }
0x63: {  	_ =	shalt  }
0x64: {  	_ =	shalt  }
0x65: {  	_ =	shalt  }
0x66: {  	_ =	shalt  }
0x67: {  	_ =	shalt  }
0x68: {  	_ =	shalt  }
0x69: {  	_ =	shalt  }
0x6a: {  	_ =	shalt  }
0x6b: {  	_ =	shalt  }
0x6c: {  	_ =	shalt  }
0x6d: {  	_ =	shalt  }
0x6e: {  	_ =	shalt  }
0x6f: {  	_ =	shalt  }
0x70: {  	_ =	shalt  }
0x71: {  	_ =	shalt  }
0x72: {  	_ =	shalt  }
0x73: {  	_ =	shalt  }
0x74: {  	_ =	shalt  }
0x75: {  	_ =	shalt  }
0x76: {  	_ =	shalt  }
0x77: {  	_ =	shalt  }
0x78: {  	_ =	shalt  }
0x79: {  	_ =	shalt  }
0x7a: {  	_ =	shalt  }
0x7b: {  	_ =	shalt  }
0x7c: {  	_ =	shalt  }
0x7d: {  	_ =	shalt  }
0x7e: {  	_ =	shalt  }
0x7f: {  	_ =	shalt  }
0x80: {  	_ =	shalt  }
0x81: {  	_ =	shalt  }
0x82: {  	_ =	shalt  }
0x83: {  	_ =	shalt  }
0x84: {  	_ =	shalt  }
0x85: {  	_ =	shalt  }
0x86: {  	_ =	shalt  }
0x87: {  	_ =	shalt  }
.Lfunc_end0:
.L_simem_size_0:
called_computation_lowered:
.L_overlay_start_0:
0x88: {  	s2 =	sld [smem:$0x3FD9]  }
0x89: {  	s3 =	sld [smem:$0x3FFE];
	_ =	sdelay $0x1  }
0x8a: {  	s1 =	srdreg.scid  }
0x8b: {  	s0 =	sand.u32 $0x1, s1  }
0x8c: {  	s17 =	sshll.u32 s0, $0xA;
	s2 =	sadd.s32 s3, s2  }
0x8d: {  	s2 =	sadd.s32 s2, s17  }
0x8e: {  	[smem:$0x3FC3] =	sst s2  }
0x8f: {  	_ = 	snop  }
0x90: {  	s2 =	sld [smem:$0x3FC6];
	(tm) =	ssettm $0x1  }
0x91: {  	s18 =	sld [smem:$0x3FFB];
	_ =	sdelay $0x3  }
0x92: {  	_ =	strace s18  }
0x93: {  	s3 =	sld [smem:$0x3FFC];
	_ =	sdelay $0x3  }
0x94: {  	_ =	strace s3  }
0x95: {  	s3 =	sld [smem:$0x3FFD];
	_ =	sdelay $0x3  }
0x96: {  	_ =	strace s3  }
0x97: {  	_ =	strace $0x8FFFFFFF  }
0x98: {  	s19 =	sld [smem:$0x3FDB];
	_ =	sdelay $0x1  }
0x99: {  	s4 =	simm.s32 $_scs_section_size  }
0x9a: {  	s5 =	simm.s32 $_size__tile_overlayer_lowered;
	s6 =	simm.s32 $_tile_overlayer_lowered  }
0x9b: {  	s22 =	simm.s32 $0x1BFF;
	s21 =	sshll.u32 s6, $0x1;
	s3 =	sadd.s32 s4, s19  }
0x9c: {  	s7 =	simm.s32 $0x0;
	s20 =	sshll.u32 s5, $0x1;
	s5 =	sadd.s32 s21, s3  }
0x9d: {  	[timem:s7], [sflag:s22] =	dma.local [hbm:s5], s20  }
0x9e: {  	_ =	swait.ge [sflag:s22], s20  }
0x9f: {  	s4 =	ssub.s32 $0x0, s20;
	[sflag:s22] =	ssyncset.done $0x0  }
0xa0: {  	[sflag:s22] =	ssyncadd.s32 s4;
	_ =	sdelay $0x1  }
0xa1: {  	s23 =	simm.s32 $0x1B8B  }
0xa2: {  	_ =	swait.ge [sflag:s23], $0x1  }
0xa3: {  	[sflag:s23] =	ssyncset.done $0x0  }
0xa4: {  	s25 =	simm.s32 $0x1B8E;
	s24 =	sld [smem:$0x3FFE];
	[sflag:s23] =	ssyncadd.s32 $0xFFFFFFFF  }
0xa5: {  	s26 =	simm.s32 $execute0_lowered;
	[smem:$0x3FD2] =	sst s25  }
0xa6: {  	s5 =	sshll.u32 s26, $0x1;
	_ =	strace $0x80000046;
	[dreg:$0x1] =	wrdreg $0xFFFFFFFF  }
0xa7: {  	s28 =	simm.s32 $_size_execute0_lowered;
	s3 =	sadd.s32 s3, s5;
	[dreg:$0x0] =	wrdreg $0x0  }
0xa8: {  	s5 =	sshll.u32 s28, $0x1;
	[dreg:$0x2] =	wrdreg s3  }
0xa9: {  	[dreg:$0x3] =	wrdreg s5  }
0xaa: {  	[dreg:$0x4] =	wrdreg $0xC0  }
0xab: {  	_ =	task [dreg:s7], $0x5FFFF  }
0xac: {  	[dreg:$0x1] =	wrdreg $0xFFFFFFFF  }
0xad: {  	[dreg:$0x0] =	wrdreg $0x60  }
0xae: {  	[dreg:$0x2] =	wrdreg s2  }
0xaf: {  	[dreg:$0x3] =	wrdreg s24  }
0xb0: {  	[dreg:$0x4] =	wrdreg $0x9  }
0xb1: {  	_ =	task.clear_ibuf [dreg:s7], $0x5FFFF;
	_ =	strace $0x90000046  }
0xb2: {  	s29 =	simm.s32 $0x9;
	_ =	strace $0x80000048  }
0xb3: {  	_ =	swait.ge [sflag:s29], $0x1  }
0xb4: {  	[sflag:s29] =	ssyncadd.s32 $0xFFFFFFFF  }
0xb5: {  	_ =	strace $0x90000048  }
0xb6: {  	_ =	sfence  }
0xb7: {  	s30 =	sld [smem:$0x0];
	_ =	sdelay $0x2  }
0xb8: {  	s31 =	sshll.u32 s1, $0xD;
	s1 =	sshrl.u32 s1, $0x2  }
0xb9: {  	s3 =	sand.u32 $0x4000, s31;
	s1 =	sadd.s32 s1, s30  }
0xba: {  	s0 =	sor.u32 s3, s0;
	s1 =	sshll.u32 s1, $0x11  }
0xbb: {  	s0 =	sor.u32 s1, s0  }
0xbc: {  	s0 =	sadd.s32 $0x8F2B, s0  }
0xbd: {  	[sflag:s0] =	ssyncadd.remote.s32 $0x1  }
0xbe: {  	_ =	sfence.sel $0xFFFF  }
0xbf: {  	[dreg:$0x0] =	wrdreg $0xFFFFFFFF;
	(pc) =	sbr.abs _section_cstart, $3  }
0xc0: {  	[dreg:$0x1] =	wrdreg $0xFFFFFFFF  }
0xc1: {  	_ =	task.clear_ibuf [dreg:s7], $0x2FFFF;
	_ =	strace $0x9FFFFFFF  }
0xc2: {  	(tm) =	ssettm $0x7FFFFFFF  }
0xc3: {  	_ =	shalt  }
tec
execute0_lowered:
.L_overlay_start_1:
0x0: {  	(tag) =	ssettag $0x1  }
0x1: {  	s1 =	srdreg.scid  }
0x2: {  	s0 =	stileid.u32;
	s2 =	rddreg [dreg:$0x0];
	s6 =	sand.u32 $0x1, s1  }
0x3: {  	s9 =	rddreg [dreg:$0x1];
	s30 =	sshll.u32 s0, $0x4;
	s3 =	sshll.u32 s6, $0x3  }
0x4: {  	s7 =	simm.s32 $0x80;
	s8 =	simm.s32 $0x1;
	s10 =	sor.u32 s3, s30  }
0x5: {  	s1 =	rddreg [dreg:$0x2];
	s3 =	simm.s32 $0x0;
	s4 =	sshrl.u32 s10, $0x3  }
0x6: {  	s11 =	ssub.s32 $0x2, s6;
	[smem:$0x7FF] =	sst s3;
	s4 =	sadd.s32 s4, s9  }
0x7: {  	_ =	strace $0x80000047;
	s5 =	sadd.s32 $0xC00, s4;
	s4 =	simm.s32 $0x2  }
0x8: {  	[tilespmem:s3], [sflag:$0x2] =	stream.linear.gather [hbm4b:s5+s3], $0x8, $0x38;
	[tilespmem:$0x480] =	vst v63  }
0x9: {  	s6 =	simm.s32 $0x8;
	s12 =	sshrl.u32 s11, $0x1;
	_ =	swait.ge [sflag:s4], $0x8  }
0xa: {  	s10 =	sshll.u32 s10, $0x4;
	s31 =	ssub.s32 s11, s12;
	[sflag:s4] =	ssyncset.done $0x0  }
0xb: {  	s9 =	sadd.s32 s10, s9;
	s10 =	smax.u32 s31, $0x1;
	[sflag:s4] =	ssyncadd.s32 $0xFFFFFFF8  }
0xc: {  	[tilespmem:s7], [sflag:$0x1] =	stream.indirect.gather [hbm4b:s2+s6], $0x80, s3, s6, $0xb8;
	[tilespmem:$0x480] =	vst v63  }
0xd: {  	p0 =	sne.s32 s10, $0x1;
	_ =	swait.ge [sflag:s8], $0x400  }
.Ltmp0:
0xe: {  	[sflag:s8] =	ssyncset.done $0x0;
	(pc) =	sbr.rel @!p0 .LBB2_2-.Ltmp0, $4  }
0xf: {  	s9 =	sadd.s32 $0xE00, s9;
	[sflag:s8] =	ssyncadd.s32 $0xFFFFFC00  }
0x10: {  	[hbm4b:s9+s3] =	stream.linear.scatter [tilespmem:s7], [sflag:$0x2], $0x400, $0x38;
	[tilespmem:$0x480] =	vst v63  }
0x11: {  	_ =	swait.ge [sflag:s4], $0x400  }
0x12: {  	s10 =	sadd.s32 $0xFFFFFFFF, s10;
	[sflag:s4] =	ssyncset.done $0x0  }
.LBB2_1:
0x13: {  	p0 =	sne.s32 s10, $0x1;
	s10 =	sadd.s32 $0xFFFFFFFF, s10;
	[sflag:s4] =	ssyncadd.s32 $0xFFFFFC00  }
0x14: {  	[tilespmem:s3], [sflag:$0x2] =	stream.linear.gather [hbm4b:s5+s3], $0x8, $0x38;
	[tilespmem:$0x480] =	vst v63  }
0x15: {  	_ =	swait.ge [sflag:s4], $0x8  }
0x16: {  	[sflag:s4] =	ssyncset.done $0x0  }
0x17: {  	[sflag:s4] =	ssyncadd.s32 $0xFFFFFFF8  }
0x18: {  	[tilespmem:s7], [sflag:$0x1] =	stream.indirect.gather [hbm4b:s2+s6], $0x80, s3, s6, $0xb8;
	[tilespmem:$0x480] =	vst v63  }
0x19: {  	_ =	swait.ge [sflag:s8], $0x400  }
.Ltmp1:
0x1a: {  	[sflag:s8] =	ssyncset.done $0x0;
	(pc) =	sbr.rel @p0 .LBB2_1-.Ltmp1, $4  }
0x1b: {  	[sflag:s8] =	ssyncadd.s32 $0xFFFFFC00  }
0x1c: {  	[hbm4b:s9+s3] =	stream.linear.scatter [tilespmem:s7], [sflag:$0x2], $0x400, $0x38;
	[tilespmem:$0x480] =	vst v63  }
0x1d: {  	_ =	swait.ge [sflag:s4], $0x400  }
0x1e: {  	[sflag:s4] =	ssyncset.done $0x0  }
.LBB2_2:
0x1f: {  	[sflag:s4] =	ssyncadd.s32 $0xFFFFFC00  }
0x20: {  	_ =	sfence.sel $0x180000  }
0x21: {  	[bflag:$0x0] =	sbarrier.arrive $0xFFFF  }
0x22: {  	p0 =	sne.s32 s0, $0x0;
	_ =	strace $0x90000047  }
0x23: {  	s0 =	sadd.s32 @!p0 $0x100000, s1;
	[bflag:$0x2] =	sbarrier.arrive $0xFFFF  }
0x24: {  	[sflag:s0] =	ssyncadd.tile.s32 @!p0 $0x1;
	_ =	shalt  }
.Lfunc_end2:
_tile_overlayer_lowered:
.L_overlay_start_2:
0x25: {  	(tag) =	ssettag $0x2  }
0x26: {  	s0 =	rddreg [dreg:$0x0];
	s2 =	stileid.u32  }
0x27: {  	s1 =	rddreg [dreg:$0x1];
	p0 =	sne.s32 s2, $0x0  }
0x28: {  	s3 =	rddreg [dreg:$0x2];
	[bflag:$0x3] =	sbarrier.arrive $0xFFFF;
	s2 =	simm.s32 @!p0 $0x1C02  }
0x29: {  	[timem:s3], [sflag:s2] =	dma.local @!p0 [hbm:s0], s1  }
0x2a: {  	s0 =	simm.s32 @!p0 $0x2  }
0x2b: {  	_ =	swait.ge @!p0 [sflag:s0], s1  }
0x2c: {  	s1 =	ssub.s32 @!p0 $0x0, s1;
	[sflag:s0] =	ssyncset.done @!p0 $0x0  }
0x2d: {  	[sflag:s0] =	ssyncadd.s32 @!p0 s1  }
0x2e: {  	[bflag:$0x3] =	sbarrier.arrive $0xFFFF  }
0x2f: {  	_ =	shalt  }

</sc_bundles>
